<compile_context>
chip_gen: v7x
topology: tpu7x:2x2x1
jax: 0.10.2.dev20260603
libtpu: 0.0.44.dev20260713+nightly
codegen_flags: <defaults>
</compile_context>

<pallas_src>
import functools

import jax
import jax.numpy as jnp
from jax import lax
from jax.experimental import pallas as pl
from jax.experimental.pallas import tpu as pltpu
from jax.experimental.pallas import tpu_sc as plsc

_HALF = 128
_NSUB = 16
_EK = 80


def _sc_segsum(dataN, data2, src2, dst, n):
    e = dst.shape[0]
    epw = e // _NSUB
    nc = epw // _EK
    rpw = (n // _NSUB) // 8 * 8
    last_rpw = n - rpw * (_NSUB - 1)
    mesh = plsc.VectorSubcoreMesh(core_axis_name="c", subcore_axis_name="s")

    @functools.partial(
        pl.kernel,
        out_type=jax.ShapeDtypeStruct((n, 2 * _HALF), jnp.float32),
        mesh=mesh,
        scratch_types=[
            pltpu.VMEM_SHARED((n, _HALF), jnp.float32),
            pltpu.VMEM((_EK,), jnp.int32),
            pltpu.VMEM((_EK,), jnp.int32),
            pltpu.VMEM((_EK,), jnp.int32),
            pltpu.VMEM((_EK,), jnp.int32),
            pltpu.VMEM((_EK, _HALF), jnp.float32),
            pltpu.VMEM((_EK, _HALF), jnp.float32),
            pltpu.SemaphoreType.DMA,
            pltpu.SemaphoreType.DMA,
            pltpu.SemaphoreType.DMA,
            pltpu.SemaphoreType.DMA,
            pltpu.SemaphoreType.DMA,
            pltpu.SemaphoreType.DMA,
        ],
    )
    def seg_kernel(dataN_hbm, data_hbm, src_hbm, dst_hbm, out_hbm, acc,
                   sidx0, didx0, sidx1, didx1, rows0, rows1, gsem0, gsem1,
                   ssem0, dsem0, ssem1, dsem1):
        c = lax.axis_index("c")
        s = lax.axis_index("s")
        r0 = s * rpw

        def lds(sb, sem, ch):
            return pltpu.make_async_copy(
                src_hbm.at[pl.ds(c * e + s * epw + ch * _EK, _EK)], sb, sem)

        def ldd(db, sem, ch):
            return pltpu.make_async_copy(
                dst_hbm.at[pl.ds(s * epw + ch * _EK, _EK)], db, sem)

        def g(rb, sb, sem):
            return pltpu.make_async_copy(data_hbm.at[sb], rb, sem)

        lds(sidx0, ssem0, 0).start()
        ldd(didx0, dsem0, 0).start()
        lds(sidx0, ssem0, 0).wait()
        g(rows0, sidx0, gsem0).start()
        lds(sidx1, ssem1, 1).start()
        ldd(didx1, dsem1, 1).start()
        lds(sidx1, ssem1, 1).wait()
        g(rows1, sidx1, gsem1).start()

        @pl.when(s < _NSUB - 1)
        def _():
            pltpu.sync_copy(
                dataN_hbm.at[pl.ds(r0, rpw), pl.ds(c * _HALF, _HALF)],
                acc.at[pl.ds(r0, rpw)])

        @pl.when(s == _NSUB - 1)
        def _():
            pltpu.sync_copy(
                dataN_hbm.at[pl.ds(r0, last_rpw), pl.ds(c * _HALF, _HALF)],
                acc.at[pl.ds(r0, last_rpw)])

        plsc.subcore_barrier()

        @pl.loop(0, nc // 2)
        def _(j):
            ce = 2 * j
            g(rows0, sidx0, gsem0).wait()
            lds(sidx0, ssem0, ce + 2).start()
            ldd(didx0, dsem0, ce).wait()
            pltpu.sync_copy(rows0, acc.at[didx0], add=True)
            ldd(didx0, dsem0, ce + 2).start()
            lds(sidx0, ssem0, ce + 2).wait()
            g(rows0, sidx0, gsem0).start()

            g(rows1, sidx1, gsem1).wait()

            @pl.when(ce + 3 < nc)
            def _():
                lds(sidx1, ssem1, ce + 3).start()

            ldd(didx1, dsem1, ce + 1).wait()
            pltpu.sync_copy(rows1, acc.at[didx1], add=True)

            @pl.when(ce + 3 < nc)
            def _():
                ldd(didx1, dsem1, ce + 3).start()
                lds(sidx1, ssem1, ce + 3).wait()
                g(rows1, sidx1, gsem1).start()

        g(rows0, sidx0, gsem0).wait()
        ldd(didx0, dsem0, nc - 1).wait()
        pltpu.sync_copy(rows0, acc.at[didx0], add=True)

        plsc.subcore_barrier()

        @pl.when(s < _NSUB - 1)
        def _():
            pltpu.sync_copy(
                acc.at[pl.ds(r0, rpw)],
                out_hbm.at[pl.ds(r0, rpw), pl.ds(c * _HALF, _HALF)])

        @pl.when(s == _NSUB - 1)
        def _():
            pltpu.sync_copy(
                acc.at[pl.ds(r0, last_rpw)],
                out_hbm.at[pl.ds(r0, last_rpw), pl.ds(c * _HALF, _HALF)])

    return seg_kernel(dataN, data2, src2, dst)


def _mlp_bn_body(hs_ref, wa_ref, ba_ref, wb_ref, bb_ref, g_ref, b_ref,
                 out_ref, sum_ref, *, n, t):
    i = pl.program_id(0)
    h = hs_ref[...]
    u = jnp.maximum(jnp.dot(h, wa_ref[...],
                            preferred_element_type=jnp.float32) + ba_ref[...], 0.0)
    y = jnp.maximum(jnp.dot(u, wb_ref[...],
                            preferred_element_type=jnp.float32) + bb_ref[...], 0.0)
    out_ref[pl.ds(i * t, t), :] = y
    s_ = jnp.sum(y, axis=0, keepdims=True)

    @pl.when(i == 0)
    def _():
        sum_ref[...] = s_

    @pl.when(i > 0)
    def _():
        sum_ref[...] += s_

    nt = n // t

    @pl.when(i == nt - 1)
    def _():
        mu = sum_ref[...] / n
        vs = jnp.zeros((1, 256), jnp.float32)
        for tt in range(nt):
            d = out_ref[pl.ds(tt * t, t), :] - mu
            vs = vs + jnp.sum(d * d, axis=0, keepdims=True)
        var = vs / n
        scale = lax.rsqrt(var + 1e-5) * g_ref[...]
        shift = b_ref[...] - mu * scale
        for tt in range(nt):
            sl = (pl.ds(tt * t, t), slice(None))
            out_ref[sl] = out_ref[sl] * scale + shift


def _tc_mlp_bn(hs, wa, ba, wb, bb, g, b, n, t):
    grid = (n // t,)
    full = lambda shape: pl.BlockSpec(shape, lambda i: (0,) * len(shape))
    return pl.pallas_call(
        functools.partial(_mlp_bn_body, n=n, t=t),
        grid=grid,
        in_specs=[
            pl.BlockSpec((t, 256), lambda i: (i, 0)),
            full((256, 256)), full((1, 256)),
            full((256, 256)), full((1, 256)),
            full((1, 256)), full((1, 256)),
        ],
        out_specs=full((n, 256)),
        out_shape=jax.ShapeDtypeStruct((n, 256), jnp.float32),
        scratch_shapes=[pltpu.VMEM((1, 256), jnp.float32)],
    )(hs, wa, ba.reshape(1, -1), wb, bb.reshape(1, -1),
      g.reshape(1, -1), b.reshape(1, -1))


def _final_body(hs_ref, wa_ref, ba_ref, wb_ref, bb_ref, g_ref, b_ref,
                batch_ref, f1w_ref, f1b_ref, f2w_ref, f2b_ref,
                out_ref, y_ref, sum_ref, *, n, t, nseg, ncls):
    i = pl.program_id(0)
    h = hs_ref[...]
    u = jnp.maximum(jnp.dot(h, wa_ref[...],
                            preferred_element_type=jnp.float32) + ba_ref[...], 0.0)
    y = jnp.maximum(jnp.dot(u, wb_ref[...],
                            preferred_element_type=jnp.float32) + bb_ref[...], 0.0)
    y_ref[pl.ds(i * t, t), :] = y
    s_ = jnp.sum(y, axis=0, keepdims=True)

    @pl.when(i == 0)
    def _():
        sum_ref[...] = s_

    @pl.when(i > 0)
    def _():
        sum_ref[...] += s_

    nt = n // t

    @pl.when(i == nt - 1)
    def _():
        mu = sum_ref[...] / n
        vs = jnp.zeros((1, 256), jnp.float32)
        for tt in range(nt):
            dd = y_ref[pl.ds(tt * t, t), :] - mu
            vs = vs + jnp.sum(dd * dd, axis=0, keepdims=True)
        var = vs / n
        scale = lax.rsqrt(var + 1e-5) * g_ref[...]
        shift = b_ref[...] - mu * scale
        pooled = jnp.zeros((nseg, 256), jnp.float32)
        for tt in range(nt):
            yt = y_ref[pl.ds(tt * t, t), :] * scale + shift
            br = batch_ref[pl.ds(tt, 1), :]
            oh = (lax.broadcasted_iota(jnp.int32, (nseg, t), 0) == br
                  ).astype(jnp.float32)
            pooled = pooled + jnp.dot(oh, yt,
                                      preferred_element_type=jnp.float32)
        p1 = jnp.maximum(jnp.dot(pooled, f1w_ref[...],
                                 preferred_element_type=jnp.float32)
                         + f1b_ref[...], 0.0)
        logits = jnp.dot(p1, f2w_ref[...],
                         preferred_element_type=jnp.float32) + f2b_ref[...]
        valid = lax.broadcasted_iota(jnp.int32, (nseg, _HALF), 1) < ncls
        neg = jnp.where(valid, logits, -1e30)
        m = jnp.max(neg, axis=1, keepdims=True)
        ex = jnp.where(valid, jnp.exp(logits - m), 0.0)
        lse = m + jnp.log(jnp.sum(ex, axis=1, keepdims=True))
        out_ref[...] = logits - lse


def _tc_final(hs, wa, ba, wb, bb, g, b, batch2d, f1w, f1b, f2wp, f2bp,
              n, t, nseg, ncls):
    grid = (n // t,)
    full = lambda shape: pl.BlockSpec(shape, lambda i: (0,) * len(shape))
    return pl.pallas_call(
        functools.partial(_final_body, n=n, t=t, nseg=nseg, ncls=ncls),
        grid=grid,
        in_specs=[
            pl.BlockSpec((t, 256), lambda i: (i, 0)),
            full((256, 256)), full((1, 256)),
            full((256, 256)), full((1, 256)),
            full((1, 256)), full((1, 256)),
            full(batch2d.shape),
            full((256, 256)), full((1, 256)),
            full((256, _HALF)), full((1, _HALF)),
        ],
        out_specs=full((nseg, _HALF)),
        out_shape=jax.ShapeDtypeStruct((nseg, _HALF), jnp.float32),
        scratch_shapes=[pltpu.VMEM((n, 256), jnp.float32),
                        pltpu.VMEM((1, 256), jnp.float32)],
    )(hs, wa, ba.reshape(1, -1), wb, bb.reshape(1, -1),
      g.reshape(1, -1), b.reshape(1, -1), batch2d,
      f1w, f1b.reshape(1, -1), f2wp, f2bp)


def kernel(x, edge_index, batch, W1a, b1a, W1b, b1b, W2a, b2a, W2b, b2b,
           bn1_g, bn1_b, bn2_g, bn2_b, fc1_W, fc1_b, fc2_W, fc2_b):
    n, d = x.shape
    e = edge_index.shape[1]
    nseg = 64
    ncls = fc2_W.shape[1]
    t = n // 10

    src = edge_index[0]
    dst = edge_index[1]
    src2 = jnp.concatenate([2 * src, 2 * src + 1])

    hs1 = _sc_segsum(x, x.reshape(2 * n, _HALF), src2, dst, n)
    h1 = _tc_mlp_bn(hs1, W1a, b1a, W1b, b1b, bn1_g, bn1_b, n, t)
    hs2 = _sc_segsum(h1, h1.reshape(2 * n, _HALF), src2, dst, n)

    batch2d = batch.reshape(n // t, t)
    f2wp = jnp.zeros((256, _HALF), jnp.float32).at[:, :ncls].set(fc2_W)
    f2bp = jnp.zeros((1, _HALF), jnp.float32).at[:, :ncls].set(fc2_b)
    out = _tc_final(hs2, W2a, b2a, W2b, b2b, bn2_g, bn2_b, batch2d,
                    fc1_W, fc1_b, f2wp, f2bp, n, t, nseg, ncls)
    return out[:, :ncls]

# --- scband reference (transcript-rebuilt; emitter-appended) ---
"""Pipeline reference for scband-gin-43138651521520 (READ-ONLY COPY).

The authoritative reference and input builder live on the scoring server;
editing this copy changes nothing except your own understanding.
"""

import jax, jax.numpy as jnp
import numpy as np


def _linear_init(key, fan_in, fan_out):
    return jax.random.normal(key, (fan_in, fan_out), dtype=jnp.float32) / np.sqrt(fan_in)


def setup_inputs(seed: int = 0) -> dict:
    key = jax.random.key(seed)
    ks = jax.random.split(key, 16)
    N, E, D, H, C, G = 10000, 160000, 256, 256, 10, 64
    inp = {}
    inp["x"] = jax.random.normal(ks[0], (N, D), dtype=jnp.float32)
    inp["edge_index"] = jax.random.randint(ks[1], (2, E), 0, N)
    inp["batch"] = jnp.sort(jax.random.randint(ks[2], (N,), 0, G))
    inp["W1a"] = _linear_init(ks[3], D, H); inp["b1a"] = jnp.zeros((H,), jnp.float32)
    inp["W1b"] = _linear_init(ks[4], H, H); inp["b1b"] = jnp.zeros((H,), jnp.float32)
    inp["W2a"] = _linear_init(ks[5], H, H); inp["b2a"] = jnp.zeros((H,), jnp.float32)
    inp["W2b"] = _linear_init(ks[6], H, H); inp["b2b"] = jnp.zeros((H,), jnp.float32)
    inp["bn1_g"] = jnp.ones((H,), jnp.float32); inp["bn1_b"] = jnp.zeros((H,), jnp.float32)
    inp["bn2_g"] = jnp.ones((H,), jnp.float32); inp["bn2_b"] = jnp.zeros((H,), jnp.float32)
    inp["fc1_W"] = _linear_init(ks[7], H, H); inp["fc1_b"] = jnp.zeros((H,), jnp.float32)
    inp["fc2_W"] = _linear_init(ks[8], H, C); inp["fc2_b"] = jnp.zeros((C,), jnp.float32)
    return inp


def _gin_conv(x, src, dst, Wa, ba, Wb, bb):
    # GINConv with eps=0 (train_eps=False): nn((1+eps)*x + sum_{j in N(i)} x_j)
    agg = jax.ops.segment_sum(x[src], dst, num_segments=x.shape[0])
    h = x + agg
    h = jnp.dot(h, Wa) + ba
    h = jax.nn.relu(h)
    h = jnp.dot(h, Wb) + bb
    return h


def _bn(x, g, b):
    # BatchNorm1d with batch statistics (training-mode forward)
    mu = jnp.mean(x, axis=0)
    var = jnp.var(x, axis=0)
    return (x - mu) * jax.lax.rsqrt(var + 1e-5) * g + b


def reference(x, edge_index, batch, W1a, b1a, W1b, b1b, W2a, b2a, W2b, b2b, bn1_g, bn1_b, bn2_g, bn2_b, fc1_W, fc1_b, fc2_W, fc2_b):
    src, dst = edge_index[0], edge_index[1]
    h = _gin_conv(x, src, dst, W1a, b1a, W1b, b1b)
    h = jax.nn.relu(h)
    h = _bn(h, bn1_g, bn1_b)
    h = _gin_conv(h, src, dst, W2a, b2a, W2b, b2b)
    h = jax.nn.relu(h)
    h = _bn(h, bn2_g, bn2_b)
    pooled = jax.ops.segment_sum(h, batch, num_segments=64)  # global_add_pool
    h = jnp.dot(pooled, fc1_W) + fc1_b
    h = jax.nn.relu(h)
    # dropout omitted (deterministic reference)
    logits = jnp.dot(h, fc2_W) + fc2_b
    return jax.nn.log_softmax(logits, axis=1)

if __name__ == "__main__":
    import jax
    _d = setup_inputs()
    print(jax.jit(kernel)(*tuple(_d.values())))

</pallas_src>

<mosaic_0001>
#map = affine_map<(d0, d1) -> (0, 0)>
#map1 = affine_map<(d0, d1) -> (0)>
module attributes {stable_mosaic.version = 14 : i64} {
  func.func @seg_kernel(%arg0: i32, %arg1: i32, %arg2: memref<10000x256xf32, #tpu.memory_space<hbm>>, %arg3: memref<20000x128xf32, #tpu.memory_space<hbm>>, %arg4: memref<320000xi32, #tpu.memory_space<hbm>>, %arg5: memref<160000xi32, #tpu.memory_space<hbm>>, %arg6: memref<10000x256xf32, #tpu.memory_space<hbm>>, %arg7: memref<10000x128xf32, #tpu.memory_space<vmem_shared>>, %arg8: memref<80xi32, #tpu.memory_space<vmem>>, %arg9: memref<80xi32, #tpu.memory_space<vmem>>, %arg10: memref<80xi32, #tpu.memory_space<vmem>>, %arg11: memref<80xi32, #tpu.memory_space<vmem>>, %arg12: memref<80x128xf32, #tpu.memory_space<vmem>>, %arg13: memref<80x128xf32, #tpu.memory_space<vmem>>, %arg14: memref<!tpu.dma_semaphore, #tpu.memory_space<semaphore_mem>>, %arg15: memref<!tpu.dma_semaphore, #tpu.memory_space<semaphore_mem>>, %arg16: memref<!tpu.dma_semaphore, #tpu.memory_space<semaphore_mem>>, %arg17: memref<!tpu.dma_semaphore, #tpu.memory_space<semaphore_mem>>, %arg18: memref<!tpu.dma_semaphore, #tpu.memory_space<semaphore_mem>>, %arg19: memref<!tpu.dma_semaphore, #tpu.memory_space<semaphore_mem>>) attributes {dimension_semantics = [#tpu.dimension_semantics<core_parallel>, #tpu.dimension_semantics<subcore_parallel>], iteration_bounds = array<i64: 2, 16>, scalar_prefetch = 0 : i64, scratch_operands = 13 : i64, tpu.core_type = #tpu.core_type<sc_vector_subcore>, window_params = [{transform_indices = #map}, {transform_indices = #map}, {transform_indices = #map1}, {transform_indices = #map1}, {transform_indices = #map}]} {
    %mul3A = arith.constant 624 : i32
    %mul3A_0 = arith.muli %arg1, %mul3A : i32
    %mul3A_1 = arith.constant 160000 : i32
    %mul3A_2 = arith.muli %arg0, %mul3A_1 : i32
    %mul3A_3 = arith.constant 10000 : i32
    %mul3A_4 = arith.muli %arg1, %mul3A_3 : i32
    %add3A = arith.addi %mul3A_2, %mul3A_4 : i32
    %add3A_5 = arith.constant 0 : i32
    %add3A_6 = arith.addi %add3A, %add3A_5 : i32
    %dma_start3A = tpu.memref_slice %arg4[%add3A_6] : memref<320000xi32, #tpu.memory_space<hbm>> -> memref<80xi32, #tpu.memory_space<hbm>>
    %dma_start3A_7 = tpu.memref_slice %arg4[%add3A_6] : memref<320000xi32, #tpu.memory_space<hbm>> -> memref<80xi32, #tpu.memory_space<hbm>>
    tpu.enqueue_dma source(%dma_start3A_7 : memref<80xi32, #tpu.memory_space<hbm>>) target(%arg8 : memref<80xi32, #tpu.memory_space<vmem>>) target_semaphore(%arg16 : memref<!tpu.dma_semaphore, #tpu.memory_space<semaphore_mem>>)
    %mul3A_8 = arith.constant 10000 : i32
    %mul3A_9 = arith.muli %arg1, %mul3A_8 : i32
    %add3A_10 = arith.constant 0 : i32
    %add3A_11 = arith.addi %mul3A_9, %add3A_10 : i32
    %dma_start3A_12 = tpu.memref_slice %arg5[%add3A_11] : memref<160000xi32, #tpu.memory_space<hbm>> -> memref<80xi32, #tpu.memory_space<hbm>>
    %dma_start3A_13 = tpu.memref_slice %arg5[%add3A_11] : memref<160000xi32, #tpu.memory_space<hbm>> -> memref<80xi32, #tpu.memory_space<hbm>>
    tpu.enqueue_dma source(%dma_start3A_13 : memref<80xi32, #tpu.memory_space<hbm>>) target(%arg9 : memref<80xi32, #tpu.memory_space<vmem>>) target_semaphore(%arg17 : memref<!tpu.dma_semaphore, #tpu.memory_space<semaphore_mem>>)
    %mul3A_14 = arith.constant 160000 : i32
    %mul3A_15 = arith.muli %arg0, %mul3A_14 : i32
    %mul3A_16 = arith.constant 10000 : i32
    %mul3A_17 = arith.muli %arg1, %mul3A_16 : i32
    %add3A_18 = arith.addi %mul3A_15, %mul3A_17 : i32
    %add3A_19 = arith.constant 0 : i32
    %add3A_20 = arith.addi %add3A_18, %add3A_19 : i32
    %dma_wait3A = tpu.memref_slice %arg4[%add3A_20] : memref<320000xi32, #tpu.memory_space<hbm>> -> memref<80xi32, #tpu.memory_space<hbm>>
    %dma_wait3A_21 = tpu.memref_slice %arg4[%add3A_20] : memref<320000xi32, #tpu.memory_space<hbm>> -> memref<80xi32, #tpu.memory_space<hbm>>
    tpu.wait_dma2 semaphore(%arg16 : memref<!tpu.dma_semaphore, #tpu.memory_space<semaphore_mem>>) src(%dma_wait3A_21 : memref<80xi32, #tpu.memory_space<hbm>>) dst(%arg8 : memref<80xi32, #tpu.memory_space<vmem>>)
    %dma_start3A_22 = arith.constant 0 : i32
    %dma_start3A_23 = arith.constant 0 : i32
    %dma_start3A_24 = tpu.memref_slice %arg3[%dma_start3A_22, %dma_start3A_23] : memref<20000x128xf32, #tpu.memory_space<hbm>> -> memref<20000x128xf32, #tpu.memory_space<hbm>>
    tpu.enqueue_indirect_dma source(%dma_start3A_24 : memref<20000x128xf32, #tpu.memory_space<hbm>>) target(%arg12 : memref<80x128xf32, #tpu.memory_space<vmem>>) offsets(%arg8 : memref<80xi32, #tpu.memory_space<vmem>>) semaphore(%arg14 : memref<!tpu.dma_semaphore, #tpu.memory_space<semaphore_mem>>)
    %mul3A_25 = arith.constant 160000 : i32
    %mul3A_26 = arith.muli %arg0, %mul3A_25 : i32
    %mul3A_27 = arith.constant 10000 : i32
    %mul3A_28 = arith.muli %arg1, %mul3A_27 : i32
    %add3A_29 = arith.addi %mul3A_26, %mul3A_28 : i32
    %add3A_30 = arith.constant 80 : i32
    %add3A_31 = arith.addi %add3A_29, %add3A_30 : i32
    %dma_start3A_32 = tpu.memref_slice %arg4[%add3A_31] : memref<320000xi32, #tpu.memory_space<hbm>> -> memref<80xi32, #tpu.memory_space<hbm>>
    %dma_start3A_33 = tpu.memref_slice %arg4[%add3A_31] : memref<320000xi32, #tpu.memory_space<hbm>> -> memref<80xi32, #tpu.memory_space<hbm>>
    tpu.enqueue_dma source(%dma_start3A_33 : memref<80xi32, #tpu.memory_space<hbm>>) target(%arg10 : memref<80xi32, #tpu.memory_space<vmem>>) target_semaphore(%arg18 : memref<!tpu.dma_semaphore, #tpu.memory_space<semaphore_mem>>)
    %mul3A_34 = arith.constant 10000 : i32
    %mul3A_35 = arith.muli %arg1, %mul3A_34 : i32
    %add3A_36 = arith.constant 80 : i32
    %add3A_37 = arith.addi %mul3A_35, %add3A_36 : i32
    %dma_start3A_38 = tpu.memref_slice %arg5[%add3A_37] : memref<160000xi32, #tpu.memory_space<hbm>> -> memref<80xi32, #tpu.memory_space<hbm>>
    %dma_start3A_39 = tpu.memref_slice %arg5[%add3A_37] : memref<160000xi32, #tpu.memory_space<hbm>> -> memref<80xi32, #tpu.memory_space<hbm>>
    tpu.enqueue_dma source(%dma_start3A_39 : memref<80xi32, #tpu.memory_space<hbm>>) target(%arg11 : memref<80xi32, #tpu.memory_space<vmem>>) target_semaphore(%arg19 : memref<!tpu.dma_semaphore, #tpu.memory_space<semaphore_mem>>)
    %mul3A_40 = arith.constant 160000 : i32
    %mul3A_41 = arith.muli %arg0, %mul3A_40 : i32
    %mul3A_42 = arith.constant 10000 : i32
    %mul3A_43 = arith.muli %arg1, %mul3A_42 : i32
    %add3A_44 = arith.addi %mul3A_41, %mul3A_43 : i32
    %add3A_45 = arith.constant 80 : i32
    %add3A_46 = arith.addi %add3A_44, %add3A_45 : i32
    %dma_wait3A_47 = tpu.memref_slice %arg4[%add3A_46] : memref<320000xi32, #tpu.memory_space<hbm>> -> memref<80xi32, #tpu.memory_space<hbm>>
    %dma_wait3A_48 = tpu.memref_slice %arg4[%add3A_46] : memref<320000xi32, #tpu.memory_space<hbm>> -> memref<80xi32, #tpu.memory_space<hbm>>
    tpu.wait_dma2 semaphore(%arg18 : memref<!tpu.dma_semaphore, #tpu.memory_space<semaphore_mem>>) src(%dma_wait3A_48 : memref<80xi32, #tpu.memory_space<hbm>>) dst(%arg10 : memref<80xi32, #tpu.memory_space<vmem>>)
    %dma_start3A_49 = arith.constant 0 : i32
    %dma_start3A_50 = arith.constant 0 : i32
    %dma_start3A_51 = tpu.memref_slice %arg3[%dma_start3A_49, %dma_start3A_50] : memref<20000x128xf32, #tpu.memory_space<hbm>> -> memref<20000x128xf32, #tpu.memory_space<hbm>>
    tpu.enqueue_indirect_dma source(%dma_start3A_51 : memref<20000x128xf32, #tpu.memory_space<hbm>>) target(%arg13 : memref<80x128xf32, #tpu.memory_space<vmem>>) offsets(%arg10 : memref<80xi32, #tpu.memory_space<vmem>>) semaphore(%arg15 : memref<!tpu.dma_semaphore, #tpu.memory_space<semaphore_mem>>)
    %lt3A = arith.constant 15 : i32
    %lt3A_52 = arith.cmpi slt, %arg1, %lt3A : i32
    %convert_element_type3A = arith.extui %lt3A_52 : i1 to i32
    %cond3A = arith.constant 0 : i32
    %cond3A_53 = arith.cmpi ne, %convert_element_type3A, %cond3A : i32
    scf.if %cond3A_53 {
      %mul3A_82 = arith.constant 128 : i32
      %mul3A_83 = arith.muli %arg0, %mul3A_82 : i32
      "tpu.region"() ({
        %run_scoped3A = tpu.sem_alloc : memref<!tpu.dma_semaphore, #tpu.memory_space<semaphore_mem>>
        %dma_start3A_84 = arith.constant 0 : i32
        %dma_start3A_85 = tpu.memref_slice %arg7[%mul3A_0, %dma_start3A_84] : memref<10000x128xf32, #tpu.memory_space<vmem_shared>> -> memref<624x128xf32, #tpu.memory_space<vmem_shared>>
        %dma_start3A_86 = tpu.memref_slice %arg2[%mul3A_0, %mul3A_83] : memref<10000x256xf32, #tpu.memory_space<hbm>> -> memref<624x128xf32, #tpu.memory_space<hbm>>
        tpu.enqueue_dma source(%dma_start3A_86 : memref<624x128xf32, #tpu.memory_space<hbm>>) target(%dma_start3A_85 : memref<624x128xf32, #tpu.memory_space<vmem_shared>>) target_semaphore(%run_scoped3A : memref<!tpu.dma_semaphore, #tpu.memory_space<semaphore_mem>>)
        %dma_wait3A_87 = arith.constant 0 : i32
        %dma_wait3A_88 = tpu.memref_slice %arg7[%mul3A_0, %dma_wait3A_87] : memref<10000x128xf32, #tpu.memory_space<vmem_shared>> -> memref<624x128xf32, #tpu.memory_space<vmem_shared>>
        %dma_wait3A_89 = tpu.memref_slice %arg2[%mul3A_0, %mul3A_83] : memref<10000x256xf32, #tpu.memory_space<hbm>> -> memref<624x128xf32, #tpu.memory_space<hbm>>
        tpu.wait_dma2 semaphore(%run_scoped3A : memref<!tpu.dma_semaphore, #tpu.memory_space<semaphore_mem>>) src(%dma_wait3A_89 : memref<624x128xf32, #tpu.memory_space<hbm>>) dst(%dma_wait3A_88 : memref<624x128xf32, #tpu.memory_space<vmem_shared>>)
        tpu.yield
      }) : () -> ()
    } else {
    }
    %eq3A = arith.constant 15 : i32
    %eq3A_54 = arith.cmpi eq, %arg1, %eq3A : i32
    %convert_element_type3A_55 = arith.extui %eq3A_54 : i1 to i32
    %cond3A_56 = arith.constant 0 : i32
    %cond3A_57 = arith.cmpi ne, %convert_element_type3A_55, %cond3A_56 : i32
    scf.if %cond3A_57 {
      %mul3A_82 = arith.constant 128 : i32
      %mul3A_83 = arith.muli %arg0, %mul3A_82 : i32
      "tpu.region"() ({
        %run_scoped3A = tpu.sem_alloc : memref<!tpu.dma_semaphore, #tpu.memory_space<semaphore_mem>>
        %dma_start3A_84 = arith.constant 0 : i32
        %dma_start3A_85 = tpu.memref_slice %arg7[%mul3A_0, %dma_start3A_84] : memref<10000x128xf32, #tpu.memory_space<vmem_shared>> -> memref<640x128xf32, #tpu.memory_space<vmem_shared>>
        %dma_start3A_86 = tpu.memref_slice %arg2[%mul3A_0, %mul3A_83] : memref<10000x256xf32, #tpu.memory_space<hbm>> -> memref<640x128xf32, #tpu.memory_space<hbm>>
        tpu.enqueue_dma source(%dma_start3A_86 : memref<640x128xf32, #tpu.memory_space<hbm>>) target(%dma_start3A_85 : memref<640x128xf32, #tpu.memory_space<vmem_shared>>) target_semaphore(%run_scoped3A : memref<!tpu.dma_semaphore, #tpu.memory_space<semaphore_mem>>)
        %dma_wait3A_87 = arith.constant 0 : i32
        %dma_wait3A_88 = tpu.memref_slice %arg7[%mul3A_0, %dma_wait3A_87] : memref<10000x128xf32, #tpu.memory_space<vmem_shared>> -> memref<640x128xf32, #tpu.memory_space<vmem_shared>>
        %dma_wait3A_89 = tpu.memref_slice %arg2[%mul3A_0, %mul3A_83] : memref<10000x256xf32, #tpu.memory_space<hbm>> -> memref<640x128xf32, #tpu.memory_space<hbm>>
        tpu.wait_dma2 semaphore(%run_scoped3A : memref<!tpu.dma_semaphore, #tpu.memory_space<semaphore_mem>>) src(%dma_wait3A_89 : memref<640x128xf32, #tpu.memory_space<hbm>>) dst(%dma_wait3A_88 : memref<640x128xf32, #tpu.memory_space<vmem_shared>>)
        tpu.yield
      }) : () -> ()
    } else {
    }
    %barrier3A = arith.constant 0 : index
    tpu.barrier barrier_id(%barrier3A)
    %scan3A = arith.constant 0 : i32
    %scan3A_58 = arith.constant 62 : i32
    %scan3A_59 = arith.addi %scan3A, %scan3A_58 : i32
    %scan3A_60 = arith.constant 1 : i32
    scf.for %scan3A_82 = %scan3A to %scan3A_59 step %scan3A_60  : i32 {
      %mul3A_83 = arith.constant 1 : i32
      %mul3A_84 = arith.muli %scan3A_82, %mul3A_83 : i32
      %add3A_85 = arith.constant 0 : i32
      %add3A_86 = arith.addi %add3A_85, %mul3A_84 : i32
      %mul3A_87 = arith.constant 2 : i32
      %mul3A_88 = arith.muli %mul3A_87, %add3A_86 : i32
      %dma_wait3A_89 = arith.constant 0 : i32
      %dma_wait3A_90 = arith.constant 0 : i32
      %dma_wait3A_91 = tpu.memref_slice %arg3[%dma_wait3A_89, %dma_wait3A_90] : memref<20000x128xf32, #tpu.memory_space<hbm>> -> memref<20000x128xf32, #tpu.memory_space<hbm>>
      tpu.wait_indirect_dma semaphore(%arg14 : memref<!tpu.dma_semaphore, #tpu.memory_space<semaphore_mem>>) src(%dma_wait3A_91 : memref<20000x128xf32, #tpu.memory_space<hbm>>) dst(%arg12 : memref<80x128xf32, #tpu.memory_space<vmem>>)
      %add3A_92 = arith.constant 2 : i32
      %add3A_93 = arith.addi %mul3A_88, %add3A_92 : i32
      %mul3A_94 = arith.constant 160000 : i32
      %mul3A_95 = arith.muli %arg0, %mul3A_94 : i32
      %mul3A_96 = arith.constant 10000 : i32
      %mul3A_97 = arith.muli %arg1, %mul3A_96 : i32
      %add3A_98 = arith.addi %mul3A_95, %mul3A_97 : i32
      %mul3A_99 = arith.constant 80 : i32
      %mul3A_100 = arith.muli %add3A_93, %mul3A_99 : i32
      %add3A_101 = arith.addi %add3A_98, %mul3A_100 : i32
      %dma_start3A_102 = tpu.memref_slice %arg4[%add3A_101] : memref<320000xi32, #tpu.memory_space<hbm>> -> memref<80xi32, #tpu.memory_space<hbm>>
      %dma_start3A_103 = tpu.memref_slice %arg4[%add3A_101] : memref<320000xi32, #tpu.memory_space<hbm>> -> memref<80xi32, #tpu.memory_space<hbm>>
      tpu.enqueue_dma source(%dma_start3A_103 : memref<80xi32, #tpu.memory_space<hbm>>) target(%arg8 : memref<80xi32, #tpu.memory_space<vmem>>) target_semaphore(%arg16 : memref<!tpu.dma_semaphore, #tpu.memory_space<semaphore_mem>>)
      %mul3A_104 = arith.constant 10000 : i32
      %mul3A_105 = arith.muli %arg1, %mul3A_104 : i32
      %mul3A_106 = arith.constant 80 : i32
      %mul3A_107 = arith.muli %mul3A_88, %mul3A_106 : i32
      %add3A_108 = arith.addi %mul3A_105, %mul3A_107 : i32
      %dma_wait3A_109 = tpu.memref_slice %arg5[%add3A_108] : memref<160000xi32, #tpu.memory_space<hbm>> -> memref<80xi32, #tpu.memory_space<hbm>>
      %dma_wait3A_110 = tpu.memref_slice %arg5[%add3A_108] : memref<160000xi32, #tpu.memory_space<hbm>> -> memref<80xi32, #tpu.memory_space<hbm>>
      tpu.wait_dma2 semaphore(%arg17 : memref<!tpu.dma_semaphore, #tpu.memory_space<semaphore_mem>>) src(%dma_wait3A_110 : memref<80xi32, #tpu.memory_space<hbm>>) dst(%arg9 : memref<80xi32, #tpu.memory_space<vmem>>)
      "tpu.region"() ({
        %run_scoped3A = tpu.sem_alloc : memref<!tpu.dma_semaphore, #tpu.memory_space<semaphore_mem>>
        %dma_start3A_161 = arith.constant 0 : i32
        %dma_start3A_162 = arith.constant 0 : i32
        %dma_start3A_163 = tpu.memref_slice %arg7[%dma_start3A_161, %dma_start3A_162] : memref<10000x128xf32, #tpu.memory_space<vmem_shared>> -> memref<10000x128xf32, #tpu.memory_space<vmem_shared>>
        tpu.enqueue_indirect_dma source(%arg12 : memref<80x128xf32, #tpu.memory_space<vmem>>) target(%dma_start3A_163 : memref<10000x128xf32, #tpu.memory_space<vmem_shared>>) offsets(%arg9 : memref<80xi32, #tpu.memory_space<vmem>>) semaphore(%run_scoped3A : memref<!tpu.dma_semaphore, #tpu.memory_space<semaphore_mem>>) {add = true}
        %dma_wait3A_164 = arith.constant 0 : i32
        %dma_wait3A_165 = arith.constant 0 : i32
        %dma_wait3A_166 = tpu.memref_slice %arg7[%dma_wait3A_164, %dma_wait3A_165] : memref<10000x128xf32, #tpu.memory_space<vmem_shared>> -> memref<10000x128xf32, #tpu.memory_space<vmem_shared>>
        tpu.wait_indirect_dma semaphore(%run_scoped3A : memref<!tpu.dma_semaphore, #tpu.memory_space<semaphore_mem>>) src(%arg12 : memref<80x128xf32, #tpu.memory_space<vmem>>) dst(%dma_wait3A_166 : memref<10000x128xf32, #tpu.memory_space<vmem_shared>>)
        tpu.yield
      }) : () -> ()
      %add3A_111 = arith.constant 2 : i32
      %add3A_112 = arith.addi %mul3A_88, %add3A_111 : i32
      %mul3A_113 = arith.constant 10000 : i32
      %mul3A_114 = arith.muli %arg1, %mul3A_113 : i32
      %mul3A_115 = arith.constant 80 : i32
      %mul3A_116 = arith.muli %add3A_112, %mul3A_115 : i32
      %add3A_117 = arith.addi %mul3A_114, %mul3A_116 : i32
      %dma_start3A_118 = tpu.memref_slice %arg5[%add3A_117] : memref<160000xi32, #tpu.memory_space<hbm>> -> memref<80xi32, #tpu.memory_space<hbm>>
      %dma_start3A_119 = tpu.memref_slice %arg5[%add3A_117] : memref<160000xi32, #tpu.memory_space<hbm>> -> memref<80xi32, #tpu.memory_space<hbm>>
      tpu.enqueue_dma source(%dma_start3A_119 : memref<80xi32, #tpu.memory_space<hbm>>) target(%arg9 : memref<80xi32, #tpu.memory_space<vmem>>) target_semaphore(%arg17 : memref<!tpu.dma_semaphore, #tpu.memory_space<semaphore_mem>>)
      %add3A_120 = arith.constant 2 : i32
      %add3A_121 = arith.addi %mul3A_88, %add3A_120 : i32
      %mul3A_122 = arith.constant 160000 : i32
      %mul3A_123 = arith.muli %arg0, %mul3A_122 : i32
      %mul3A_124 = arith.constant 10000 : i32
      %mul3A_125 = arith.muli %arg1, %mul3A_124 : i32
      %add3A_126 = arith.addi %mul3A_123, %mul3A_125 : i32
      %mul3A_127 = arith.constant 80 : i32
      %mul3A_128 = arith.muli %add3A_121, %mul3A_127 : i32
      %add3A_129 = arith.addi %add3A_126, %mul3A_128 : i32
      %dma_wait3A_130 = tpu.memref_slice %arg4[%add3A_129] : memref<320000xi32, #tpu.memory_space<hbm>> -> memref<80xi32, #tpu.memory_space<hbm>>
      %dma_wait3A_131 = tpu.memref_slice %arg4[%add3A_129] : memref<320000xi32, #tpu.memory_space<hbm>> -> memref<80xi32, #tpu.memory_space<hbm>>
      tpu.wait_dma2 semaphore(%arg16 : memref<!tpu.dma_semaphore, #tpu.memory_space<semaphore_mem>>) src(%dma_wait3A_131 : memref<80xi32, #tpu.memory_space<hbm>>) dst(%arg8 : memref<80xi32, #tpu.memory_space<vmem>>)
      %dma_start3A_132 = arith.constant 0 : i32
      %dma_start3A_133 = arith.constant 0 : i32
      %dma_start3A_134 = tpu.memref_slice %arg3[%dma_start3A_132, %dma_start3A_133] : memref<20000x128xf32, #tpu.memory_space<hbm>> -> memref<20000x128xf32, #tpu.memory_space<hbm>>
      tpu.enqueue_indirect_dma source(%dma_start3A_134 : memref<20000x128xf32, #tpu.memory_space<hbm>>) target(%arg12 : memref<80x128xf32, #tpu.memory_space<vmem>>) offsets(%arg8 : memref<80xi32, #tpu.memory_space<vmem>>) semaphore(%arg14 : memref<!tpu.dma_semaphore, #tpu.memory_space<semaphore_mem>>)
      %dma_wait3A_135 = arith.constant 0 : i32
      %dma_wait3A_136 = arith.constant 0 : i32
      %dma_wait3A_137 = tpu.memref_slice %arg3[%dma_wait3A_135, %dma_wait3A_136] : memref<20000x128xf32, #tpu.memory_space<hbm>> -> memref<20000x128xf32, #tpu.memory_space<hbm>>
      tpu.wait_indirect_dma semaphore(%arg15 : memref<!tpu.dma_semaphore, #tpu.memory_space<semaphore_mem>>) src(%dma_wait3A_137 : memref<20000x128xf32, #tpu.memory_space<hbm>>) dst(%arg13 : memref<80x128xf32, #tpu.memory_space<vmem>>)
      %add3A_138 = arith.constant 3 : i32
      %add3A_139 = arith.addi %mul3A_88, %add3A_138 : i32
      %lt3A_140 = arith.constant 125 : i32
      %lt3A_141 = arith.cmpi slt, %add3A_139, %lt3A_140 : i32
      %convert_element_type3A_142 = arith.extui %lt3A_141 : i1 to i32
      %cond3A_143 = arith.constant 0 : i32
      %cond3A_144 = arith.cmpi ne, %convert_element_type3A_142, %cond3A_143 : i32
      scf.if %cond3A_144 {
        %add3A_161 = arith.constant 3 : i32
        %add3A_162 = arith.addi %mul3A_88, %add3A_161 : i32
        %mul3A_163 = arith.constant 160000 : i32
        %mul3A_164 = arith.muli %arg0, %mul3A_163 : i32
        %mul3A_165 = arith.constant 10000 : i32
        %mul3A_166 = arith.muli %arg1, %mul3A_165 : i32
        %add3A_167 = arith.addi %mul3A_164, %mul3A_166 : i32
        %mul3A_168 = arith.constant 80 : i32
        %mul3A_169 = arith.muli %add3A_162, %mul3A_168 : i32
        %add3A_170 = arith.addi %add3A_167, %mul3A_169 : i32
        %dma_start3A_171 = tpu.memref_slice %arg4[%add3A_170] : memref<320000xi32, #tpu.memory_space<hbm>> -> memref<80xi32, #tpu.memory_space<hbm>>
        %dma_start3A_172 = tpu.memref_slice %arg4[%add3A_170] : memref<320000xi32, #tpu.memory_space<hbm>> -> memref<80xi32, #tpu.memory_space<hbm>>
        tpu.enqueue_dma source(%dma_start3A_172 : memref<80xi32, #tpu.memory_space<hbm>>) target(%arg10 : memref<80xi32, #tpu.memory_space<vmem>>) target_semaphore(%arg18 : memref<!tpu.dma_semaphore, #tpu.memory_space<semaphore_mem>>)
      } else {
      }
      %add3A_145 = arith.constant 1 : i32
      %add3A_146 = arith.addi %mul3A_88, %add3A_145 : i32
      %mul3A_147 = arith.constant 10000 : i32
      %mul3A_148 = arith.muli %arg1, %mul3A_147 : i32
      %mul3A_149 = arith.constant 80 : i32
      %mul3A_150 = arith.muli %add3A_146, %mul3A_149 : i32
      %add3A_151 = arith.addi %mul3A_148, %mul3A_150 : i32
      %dma_wait3A_152 = tpu.memref_slice %arg5[%add3A_151] : memref<160000xi32, #tpu.memory_space<hbm>> -> memref<80xi32, #tpu.memory_space<hbm>>
      %dma_wait3A_153 = tpu.memref_slice %arg5[%add3A_151] : memref<160000xi32, #tpu.memory_space<hbm>> -> memref<80xi32, #tpu.memory_space<hbm>>
      tpu.wait_dma2 semaphore(%arg19 : memref<!tpu.dma_semaphore, #tpu.memory_space<semaphore_mem>>) src(%dma_wait3A_153 : memref<80xi32, #tpu.memory_space<hbm>>) dst(%arg11 : memref<80xi32, #tpu.memory_space<vmem>>)
      "tpu.region"() ({
        %run_scoped3A = tpu.sem_alloc : memref<!tpu.dma_semaphore, #tpu.memory_space<semaphore_mem>>
        %dma_start3A_161 = arith.constant 0 : i32
        %dma_start3A_162 = arith.constant 0 : i32
        %dma_start3A_163 = tpu.memref_slice %arg7[%dma_start3A_161, %dma_start3A_162] : memref<10000x128xf32, #tpu.memory_space<vmem_shared>> -> memref<10000x128xf32, #tpu.memory_space<vmem_shared>>
        tpu.enqueue_indirect_dma source(%arg13 : memref<80x128xf32, #tpu.memory_space<vmem>>) target(%dma_start3A_163 : memref<10000x128xf32, #tpu.memory_space<vmem_shared>>) offsets(%arg11 : memref<80xi32, #tpu.memory_space<vmem>>) semaphore(%run_scoped3A : memref<!tpu.dma_semaphore, #tpu.memory_space<semaphore_mem>>) {add = true}
        %dma_wait3A_164 = arith.constant 0 : i32
        %dma_wait3A_165 = arith.constant 0 : i32
        %dma_wait3A_166 = tpu.memref_slice %arg7[%dma_wait3A_164, %dma_wait3A_165] : memref<10000x128xf32, #tpu.memory_space<vmem_shared>> -> memref<10000x128xf32, #tpu.memory_space<vmem_shared>>
        tpu.wait_indirect_dma semaphore(%run_scoped3A : memref<!tpu.dma_semaphore, #tpu.memory_space<semaphore_mem>>) src(%arg13 : memref<80x128xf32, #tpu.memory_space<vmem>>) dst(%dma_wait3A_166 : memref<10000x128xf32, #tpu.memory_space<vmem_shared>>)
        tpu.yield
      }) : () -> ()
      %add3A_154 = arith.constant 3 : i32
      %add3A_155 = arith.addi %mul3A_88, %add3A_154 : i32
      %lt3A_156 = arith.constant 125 : i32
      %lt3A_157 = arith.cmpi slt, %add3A_155, %lt3A_156 : i32
      %convert_element_type3A_158 = arith.extui %lt3A_157 : i1 to i32
      %cond3A_159 = arith.constant 0 : i32
      %cond3A_160 = arith.cmpi ne, %convert_element_type3A_158, %cond3A_159 : i32
      scf.if %cond3A_160 {
        %add3A_161 = arith.constant 3 : i32
        %add3A_162 = arith.addi %mul3A_88, %add3A_161 : i32
        %mul3A_163 = arith.constant 10000 : i32
        %mul3A_164 = arith.muli %arg1, %mul3A_163 : i32
        %mul3A_165 = arith.constant 80 : i32
        %mul3A_166 = arith.muli %add3A_162, %mul3A_165 : i32
        %add3A_167 = arith.addi %mul3A_164, %mul3A_166 : i32
        %dma_start3A_168 = tpu.memref_slice %arg5[%add3A_167] : memref<160000xi32, #tpu.memory_space<hbm>> -> memref<80xi32, #tpu.memory_space<hbm>>
        %dma_start3A_169 = tpu.memref_slice %arg5[%add3A_167] : memref<160000xi32, #tpu.memory_space<hbm>> -> memref<80xi32, #tpu.memory_space<hbm>>
        tpu.enqueue_dma source(%dma_start3A_169 : memref<80xi32, #tpu.memory_space<hbm>>) target(%arg11 : memref<80xi32, #tpu.memory_space<vmem>>) target_semaphore(%arg19 : memref<!tpu.dma_semaphore, #tpu.memory_space<semaphore_mem>>)
        %add3A_170 = arith.constant 3 : i32
        %add3A_171 = arith.addi %mul3A_88, %add3A_170 : i32
        %mul3A_172 = arith.constant 160000 : i32
        %mul3A_173 = arith.muli %arg0, %mul3A_172 : i32
        %mul3A_174 = arith.constant 10000 : i32
        %mul3A_175 = arith.muli %arg1, %mul3A_174 : i32
        %add3A_176 = arith.addi %mul3A_173, %mul3A_175 : i32
        %mul3A_177 = arith.constant 80 : i32
        %mul3A_178 = arith.muli %add3A_171, %mul3A_177 : i32
        %add3A_179 = arith.addi %add3A_176, %mul3A_178 : i32
        %dma_wait3A_180 = tpu.memref_slice %arg4[%add3A_179] : memref<320000xi32, #tpu.memory_space<hbm>> -> memref<80xi32, #tpu.memory_space<hbm>>
        %dma_wait3A_181 = tpu.memref_slice %arg4[%add3A_179] : memref<320000xi32, #tpu.memory_space<hbm>> -> memref<80xi32, #tpu.memory_space<hbm>>
        tpu.wait_dma2 semaphore(%arg18 : memref<!tpu.dma_semaphore, #tpu.memory_space<semaphore_mem>>) src(%dma_wait3A_181 : memref<80xi32, #tpu.memory_space<hbm>>) dst(%arg10 : memref<80xi32, #tpu.memory_space<vmem>>)
        %dma_start3A_182 = arith.constant 0 : i32
        %dma_start3A_183 = arith.constant 0 : i32
        %dma_start3A_184 = tpu.memref_slice %arg3[%dma_start3A_182, %dma_start3A_183] : memref<20000x128xf32, #tpu.memory_space<hbm>> -> memref<20000x128xf32, #tpu.memory_space<hbm>>
        tpu.enqueue_indirect_dma source(%dma_start3A_184 : memref<20000x128xf32, #tpu.memory_space<hbm>>) target(%arg13 : memref<80x128xf32, #tpu.memory_space<vmem>>) offsets(%arg10 : memref<80xi32, #tpu.memory_space<vmem>>) semaphore(%arg15 : memref<!tpu.dma_semaphore, #tpu.memory_space<semaphore_mem>>)
      } else {
      }
    }
    %scan3A_61 = arith.constant 62 : i32
    %dma_wait3A_62 = arith.constant 0 : i32
    %dma_wait3A_63 = arith.constant 0 : i32
    %dma_wait3A_64 = tpu.memref_slice %arg3[%dma_wait3A_62, %dma_wait3A_63] : memref<20000x128xf32, #tpu.memory_space<hbm>> -> memref<20000x128xf32, #tpu.memory_space<hbm>>
    tpu.wait_indirect_dma semaphore(%arg14 : memref<!tpu.dma_semaphore, #tpu.memory_space<semaphore_mem>>) src(%dma_wait3A_64 : memref<20000x128xf32, #tpu.memory_space<hbm>>) dst(%arg12 : memref<80x128xf32, #tpu.memory_space<vmem>>)
    %mul3A_65 = arith.constant 10000 : i32
    %mul3A_66 = arith.muli %arg1, %mul3A_65 : i32
    %add3A_67 = arith.constant 9920 : i32
    %add3A_68 = arith.addi %mul3A_66, %add3A_67 : i32
    %dma_wait3A_69 = tpu.memref_slice %arg5[%add3A_68] : memref<160000xi32, #tpu.memory_space<hbm>> -> memref<80xi32, #tpu.memory_space<hbm>>
    %dma_wait3A_70 = tpu.memref_slice %arg5[%add3A_68] : memref<160000xi32, #tpu.memory_space<hbm>> -> memref<80xi32, #tpu.memory_space<hbm>>
    tpu.wait_dma2 semaphore(%arg17 : memref<!tpu.dma_semaphore, #tpu.memory_space<semaphore_mem>>) src(%dma_wait3A_70 : memref<80xi32, #tpu.memory_space<hbm>>) dst(%arg9 : memref<80xi32, #tpu.memory_space<vmem>>)
    "tpu.region"() ({
      %run_scoped3A = tpu.sem_alloc : memref<!tpu.dma_semaphore, #tpu.memory_space<semaphore_mem>>
      %dma_start3A_82 = arith.constant 0 : i32
      %dma_start3A_83 = arith.constant 0 : i32
      %dma_start3A_84 = tpu.memref_slice %arg7[%dma_start3A_82, %dma_start3A_83] : memref<10000x128xf32, #tpu.memory_space<vmem_shared>> -> memref<10000x128xf32, #tpu.memory_space<vmem_shared>>
      tpu.enqueue_indirect_dma source(%arg12 : memref<80x128xf32, #tpu.memory_space<vmem>>) target(%dma_start3A_84 : memref<10000x128xf32, #tpu.memory_space<vmem_shared>>) offsets(%arg9 : memref<80xi32, #tpu.memory_space<vmem>>) semaphore(%run_scoped3A : memref<!tpu.dma_semaphore, #tpu.memory_space<semaphore_mem>>) {add = true}
      %dma_wait3A_85 = arith.constant 0 : i32
      %dma_wait3A_86 = arith.constant 0 : i32
      %dma_wait3A_87 = tpu.memref_slice %arg7[%dma_wait3A_85, %dma_wait3A_86] : memref<10000x128xf32, #tpu.memory_space<vmem_shared>> -> memref<10000x128xf32, #tpu.memory_space<vmem_shared>>
      tpu.wait_indirect_dma semaphore(%run_scoped3A : memref<!tpu.dma_semaphore, #tpu.memory_space<semaphore_mem>>) src(%arg12 : memref<80x128xf32, #tpu.memory_space<vmem>>) dst(%dma_wait3A_87 : memref<10000x128xf32, #tpu.memory_space<vmem_shared>>)
      tpu.yield
    }) : () -> ()
    %barrier3A_71 = arith.constant 0 : index
    tpu.barrier barrier_id(%barrier3A_71)
    %lt3A_72 = arith.constant 15 : i32
    %lt3A_73 = arith.cmpi slt, %arg1, %lt3A_72 : i32
    %convert_element_type3A_74 = arith.extui %lt3A_73 : i1 to i32
    %cond3A_75 = arith.constant 0 : i32
    %cond3A_76 = arith.cmpi ne, %convert_element_type3A_74, %cond3A_75 : i32
    scf.if %cond3A_76 {
      %mul3A_82 = arith.constant 128 : i32
      %mul3A_83 = arith.muli %arg0, %mul3A_82 : i32
      "tpu.region"() ({
        %run_scoped3A = tpu.sem_alloc : memref<!tpu.dma_semaphore, #tpu.memory_space<semaphore_mem>>
        %dma_start3A_84 = tpu.memref_slice %arg6[%mul3A_0, %mul3A_83] : memref<10000x256xf32, #tpu.memory_space<hbm>> -> memref<624x128xf32, #tpu.memory_space<hbm>>
        %dma_start3A_85 = arith.constant 0 : i32
        %dma_start3A_86 = tpu.memref_slice %arg7[%mul3A_0, %dma_start3A_85] : memref<10000x128xf32, #tpu.memory_space<vmem_shared>> -> memref<624x128xf32, #tpu.memory_space<vmem_shared>>
        tpu.enqueue_dma source(%dma_start3A_86 : memref<624x128xf32, #tpu.memory_space<vmem_shared>>) target(%dma_start3A_84 : memref<624x128xf32, #tpu.memory_space<hbm>>) target_semaphore(%run_scoped3A : memref<!tpu.dma_semaphore, #tpu.memory_space<semaphore_mem>>)
        %dma_wait3A_87 = tpu.memref_slice %arg6[%mul3A_0, %mul3A_83] : memref<10000x256xf32, #tpu.memory_space<hbm>> -> memref<624x128xf32, #tpu.memory_space<hbm>>
        %dma_wait3A_88 = arith.constant 0 : i32
        %dma_wait3A_89 = tpu.memref_slice %arg7[%mul3A_0, %dma_wait3A_88] : memref<10000x128xf32, #tpu.memory_space<vmem_shared>> -> memref<624x128xf32, #tpu.memory_space<vmem_shared>>
        tpu.wait_dma2 semaphore(%run_scoped3A : memref<!tpu.dma_semaphore, #tpu.memory_space<semaphore_mem>>) src(%dma_wait3A_89 : memref<624x128xf32, #tpu.memory_space<vmem_shared>>) dst(%dma_wait3A_87 : memref<624x128xf32, #tpu.memory_space<hbm>>)
        tpu.yield
      }) : () -> ()
    } else {
    }
    %eq3A_77 = arith.constant 15 : i32
    %eq3A_78 = arith.cmpi eq, %arg1, %eq3A_77 : i32
    %convert_element_type3A_79 = arith.extui %eq3A_78 : i1 to i32
    %cond3A_80 = arith.constant 0 : i32
    %cond3A_81 = arith.cmpi ne, %convert_element_type3A_79, %cond3A_80 : i32
    scf.if %cond3A_81 {
      %mul3A_82 = arith.constant 128 : i32
      %mul3A_83 = arith.muli %arg0, %mul3A_82 : i32
      "tpu.region"() ({
        %run_scoped3A = tpu.sem_alloc : memref<!tpu.dma_semaphore, #tpu.memory_space<semaphore_mem>>
        %dma_start3A_84 = tpu.memref_slice %arg6[%mul3A_0, %mul3A_83] : memref<10000x256xf32, #tpu.memory_space<hbm>> -> memref<640x128xf32, #tpu.memory_space<hbm>>
        %dma_start3A_85 = arith.constant 0 : i32
        %dma_start3A_86 = tpu.memref_slice %arg7[%mul3A_0, %dma_start3A_85] : memref<10000x128xf32, #tpu.memory_space<vmem_shared>> -> memref<640x128xf32, #tpu.memory_space<vmem_shared>>
        tpu.enqueue_dma source(%dma_start3A_86 : memref<640x128xf32, #tpu.memory_space<vmem_shared>>) target(%dma_start3A_84 : memref<640x128xf32, #tpu.memory_space<hbm>>) target_semaphore(%run_scoped3A : memref<!tpu.dma_semaphore, #tpu.memory_space<semaphore_mem>>)
        %dma_wait3A_87 = tpu.memref_slice %arg6[%mul3A_0, %mul3A_83] : memref<10000x256xf32, #tpu.memory_space<hbm>> -> memref<640x128xf32, #tpu.memory_space<hbm>>
        %dma_wait3A_88 = arith.constant 0 : i32
        %dma_wait3A_89 = tpu.memref_slice %arg7[%mul3A_0, %dma_wait3A_88] : memref<10000x128xf32, #tpu.memory_space<vmem_shared>> -> memref<640x128xf32, #tpu.memory_space<vmem_shared>>
        tpu.wait_dma2 semaphore(%run_scoped3A : memref<!tpu.dma_semaphore, #tpu.memory_space<semaphore_mem>>) src(%dma_wait3A_89 : memref<640x128xf32, #tpu.memory_space<vmem_shared>>) dst(%dma_wait3A_87 : memref<640x128xf32, #tpu.memory_space<hbm>>)
        tpu.yield
      }) : () -> ()
    } else {
    }
    return
  }
}

#map = affine_map<(d0, d1) -> (0, 0)>
#map1 = affine_map<(d0, d1) -> (0)>
module attributes {stable_mosaic.version = 14 : i64} {
  func.func @seg_kernel(%arg0: i32, %arg1: i32, %arg2: memref<10000x256xf32, #tpu.memory_space<hbm>>, %arg3: memref<20000x128xf32, #tpu.memory_space<hbm>>, %arg4: memref<320000xi32, #tpu.memory_space<hbm>>, %arg5: memref<160000xi32, #tpu.memory_space<hbm>>, %arg6: memref<10000x256xf32, #tpu.memory_space<hbm>>, %arg7: memref<10000x128xf32, #tpu.memory_space<vmem_shared>>, %arg8: memref<80xi32, #tpu.memory_space<vmem>>, %arg9: memref<80xi32, #tpu.memory_space<vmem>>, %arg10: memref<80xi32, #tpu.memory_space<vmem>>, %arg11: memref<80xi32, #tpu.memory_space<vmem>>, %arg12: memref<80x128xf32, #tpu.memory_space<vmem>>, %arg13: memref<80x128xf32, #tpu.memory_space<vmem>>, %arg14: memref<!tpu.dma_semaphore, #tpu.memory_space<semaphore_mem>>, %arg15: memref<!tpu.dma_semaphore, #tpu.memory_space<semaphore_mem>>, %arg16: memref<!tpu.dma_semaphore, #tpu.memory_space<semaphore_mem>>, %arg17: memref<!tpu.dma_semaphore, #tpu.memory_space<semaphore_mem>>, %arg18: memref<!tpu.dma_semaphore, #tpu.memory_space<semaphore_mem>>, %arg19: memref<!tpu.dma_semaphore, #tpu.memory_space<semaphore_mem>>) attributes {dimension_semantics = [#tpu.dimension_semantics<core_parallel>, #tpu.dimension_semantics<subcore_parallel>], iteration_bounds = array<i64: 2, 16>, scalar_prefetch = 0 : i64, scratch_operands = 13 : i64, tpu.core_type = #tpu.core_type<sc_vector_subcore>, window_params = [{transform_indices = #map}, {transform_indices = #map}, {transform_indices = #map1}, {transform_indices = #map1}, {transform_indices = #map}]} {
    %mul3A = arith.constant 624 : i32
    %mul3A_0 = arith.muli %arg1, %mul3A : i32
    %mul3A_1 = arith.constant 160000 : i32
    %mul3A_2 = arith.muli %arg0, %mul3A_1 : i32
    %mul3A_3 = arith.constant 10000 : i32
    %mul3A_4 = arith.muli %arg1, %mul3A_3 : i32
    %add3A = arith.addi %mul3A_2, %mul3A_4 : i32
    %add3A_5 = arith.constant 0 : i32
    %add3A_6 = arith.addi %add3A, %add3A_5 : i32
    %dma_start3A = tpu.memref_slice %arg4[%add3A_6] : memref<320000xi32, #tpu.memory_space<hbm>> -> memref<80xi32, #tpu.memory_space<hbm>>
    %dma_start3A_7 = tpu.memref_slice %arg4[%add3A_6] : memref<320000xi32, #tpu.memory_space<hbm>> -> memref<80xi32, #tpu.memory_space<hbm>>
    tpu.enqueue_dma source(%dma_start3A_7 : memref<80xi32, #tpu.memory_space<hbm>>) target(%arg8 : memref<80xi32, #tpu.memory_space<vmem>>) target_semaphore(%arg16 : memref<!tpu.dma_semaphore, #tpu.memory_space<semaphore_mem>>)
    %mul3A_8 = arith.constant 10000 : i32
    %mul3A_9 = arith.muli %arg1, %mul3A_8 : i32
    %add3A_10 = arith.constant 0 : i32
    %add3A_11 = arith.addi %mul3A_9, %add3A_10 : i32
    %dma_start3A_12 = tpu.memref_slice %arg5[%add3A_11] : memref<160000xi32, #tpu.memory_space<hbm>> -> memref<80xi32, #tpu.memory_space<hbm>>
    %dma_start3A_13 = tpu.memref_slice %arg5[%add3A_11] : memref<160000xi32, #tpu.memory_space<hbm>> -> memref<80xi32, #tpu.memory_space<hbm>>
    tpu.enqueue_dma source(%dma_start3A_13 : memref<80xi32, #tpu.memory_space<hbm>>) target(%arg9 : memref<80xi32, #tpu.memory_space<vmem>>) target_semaphore(%arg17 : memref<!tpu.dma_semaphore, #tpu.memory_space<semaphore_mem>>)
    %mul3A_14 = arith.constant 160000 : i32
    %mul3A_15 = arith.muli %arg0, %mul3A_14 : i32
    %mul3A_16 = arith.constant 10000 : i32
    %mul3A_17 = arith.muli %arg1, %mul3A_16 : i32
    %add3A_18 = arith.addi %mul3A_15, %mul3A_17 : i32
    %add3A_19 = arith.constant 0 : i32
    %add3A_20 = arith.addi %add3A_18, %add3A_19 : i32
    %dma_wait3A = tpu.memref_slice %arg4[%add3A_20] : memref<320000xi32, #tpu.memory_space<hbm>> -> memref<80xi32, #tpu.memory_space<hbm>>
    %dma_wait3A_21 = tpu.memref_slice %arg4[%add3A_20] : memref<320000xi32, #tpu.memory_space<hbm>> -> memref<80xi32, #tpu.memory_space<hbm>>
    tpu.wait_dma2 semaphore(%arg16 : memref<!tpu.dma_semaphore, #tpu.memory_space<semaphore_mem>>) src(%dma_wait3A_21 : memref<80xi32, #tpu.memory_space<hbm>>) dst(%arg8 : memref<80xi32, #tpu.memory_space<vmem>>)
    %dma_start3A_22 = arith.constant 0 : i32
    %dma_start3A_23 = arith.constant 0 : i32
    %dma_start3A_24 = tpu.memref_slice %arg3[%dma_start3A_22, %dma_start3A_23] : memref<20000x128xf32, #tpu.memory_space<hbm>> -> memref<20000x128xf32, #tpu.memory_space<hbm>>
    tpu.enqueue_indirect_dma source(%dma_start3A_24 : memref<20000x128xf32, #tpu.memory_space<hbm>>) target(%arg12 : memref<80x128xf32, #tpu.memory_space<vmem>>) offsets(%arg8 : memref<80xi32, #tpu.memory_space<vmem>>) semaphore(%arg14 : memref<!tpu.dma_semaphore, #tpu.memory_space<semaphore_mem>>)
    %mul3A_25 = arith.constant 160000 : i32
    %mul3A_26 = arith.muli %arg0, %mul3A_25 : i32
    %mul3A_27 = arith.constant 10000 : i32
    %mul3A_28 = arith.muli %arg1, %mul3A_27 : i32
    %add3A_29 = arith.addi %mul3A_26, %mul3A_28 : i32
    %add3A_30 = arith.constant 80 : i32
    %add3A_31 = arith.addi %add3A_29, %add3A_30 : i32
    %dma_start3A_32 = tpu.memref_slice %arg4[%add3A_31] : memref<320000xi32, #tpu.memory_space<hbm>> -> memref<80xi32, #tpu.memory_space<hbm>>
    %dma_start3A_33 = tpu.memref_slice %arg4[%add3A_31] : memref<320000xi32, #tpu.memory_space<hbm>> -> memref<80xi32, #tpu.memory_space<hbm>>
    tpu.enqueue_dma source(%dma_start3A_33 : memref<80xi32, #tpu.memory_space<hbm>>) target(%arg10 : memref<80xi32, #tpu.memory_space<vmem>>) target_semaphore(%arg18 : memref<!tpu.dma_semaphore, #tpu.memory_space<semaphore_mem>>)
    %mul3A_34 = arith.constant 10000 : i32
    %mul3A_35 = arith.muli %arg1, %mul3A_34 : i32
    %add3A_36 = arith.constant 80 : i32
    %add3A_37 = arith.addi %mul3A_35, %add3A_36 : i32
    %dma_start3A_38 = tpu.memref_slice %arg5[%add3A_37] : memref<160000xi32, #tpu.memory_space<hbm>> -> memref<80xi32, #tpu.memory_space<hbm>>
    %dma_start3A_39 = tpu.memref_slice %arg5[%add3A_37] : memref<160000xi32, #tpu.memory_space<hbm>> -> memref<80xi32, #tpu.memory_space<hbm>>
    tpu.enqueue_dma source(%dma_start3A_39 : memref<80xi32, #tpu.memory_space<hbm>>) target(%arg11 : memref<80xi32, #tpu.memory_space<vmem>>) target_semaphore(%arg19 : memref<!tpu.dma_semaphore, #tpu.memory_space<semaphore_mem>>)
    %mul3A_40 = arith.constant 160000 : i32
    %mul3A_41 = arith.muli %arg0, %mul3A_40 : i32
    %mul3A_42 = arith.constant 10000 : i32
    %mul3A_43 = arith.muli %arg1, %mul3A_42 : i32
    %add3A_44 = arith.addi %mul3A_41, %mul3A_43 : i32
    %add3A_45 = arith.constant 80 : i32
    %add3A_46 = arith.addi %add3A_44, %add3A_45 : i32
    %dma_wait3A_47 = tpu.memref_slice %arg4[%add3A_46] : memref<320000xi32, #tpu.memory_space<hbm>> -> memref<80xi32, #tpu.memory_space<hbm>>
    %dma_wait3A_48 = tpu.memref_slice %arg4[%add3A_46] : memref<320000xi32, #tpu.memory_space<hbm>> -> memref<80xi32, #tpu.memory_space<hbm>>
    tpu.wait_dma2 semaphore(%arg18 : memref<!tpu.dma_semaphore, #tpu.memory_space<semaphore_mem>>) src(%dma_wait3A_48 : memref<80xi32, #tpu.memory_space<hbm>>) dst(%arg10 : memref<80xi32, #tpu.memory_space<vmem>>)
    %dma_start3A_49 = arith.constant 0 : i32
    %dma_start3A_50 = arith.constant 0 : i32
    %dma_start3A_51 = tpu.memref_slice %arg3[%dma_start3A_49, %dma_start3A_50] : memref<20000x128xf32, #tpu.memory_space<hbm>> -> memref<20000x128xf32, #tpu.memory_space<hbm>>
    tpu.enqueue_indirect_dma source(%dma_start3A_51 : memref<20000x128xf32, #tpu.memory_space<hbm>>) target(%arg13 : memref<80x128xf32, #tpu.memory_space<vmem>>) offsets(%arg10 : memref<80xi32, #tpu.memory_space<vmem>>) semaphore(%arg15 : memref<!tpu.dma_semaphore, #tpu.memory_space<semaphore_mem>>)
    %lt3A = arith.constant 15 : i32
    %lt3A_52 = arith.cmpi slt, %arg1, %lt3A : i32
    %convert_element_type3A = arith.extui %lt3A_52 : i1 to i32
    %cond3A = arith.constant 0 : i32
    %cond3A_53 = arith.cmpi ne, %convert_element_type3A, %cond3A : i32
    scf.if %cond3A_53 {
      %mul3A_82 = arith.constant 128 : i32
      %mul3A_83 = arith.muli %arg0, %mul3A_82 : i32
      "tpu.region"() ({
        %run_scoped3A = tpu.sem_alloc : memref<!tpu.dma_semaphore, #tpu.memory_space<semaphore_mem>>
        %dma_start3A_84 = arith.constant 0 : i32
        %dma_start3A_85 = tpu.memref_slice %arg7[%mul3A_0, %dma_start3A_84] : memref<10000x128xf32, #tpu.memory_space<vmem_shared>> -> memref<624x128xf32, #tpu.memory_space<vmem_shared>>
        %dma_start3A_86 = tpu.memref_slice %arg2[%mul3A_0, %mul3A_83] : memref<10000x256xf32, #tpu.memory_space<hbm>> -> memref<624x128xf32, #tpu.memory_space<hbm>>
        tpu.enqueue_dma source(%dma_start3A_86 : memref<624x128xf32, #tpu.memory_space<hbm>>) target(%dma_start3A_85 : memref<624x128xf32, #tpu.memory_space<vmem_shared>>) target_semaphore(%run_scoped3A : memref<!tpu.dma_semaphore, #tpu.memory_space<semaphore_mem>>)
        %dma_wait3A_87 = arith.constant 0 : i32
        %dma_wait3A_88 = tpu.memref_slice %arg7[%mul3A_0, %dma_wait3A_87] : memref<10000x128xf32, #tpu.memory_space<vmem_shared>> -> memref<624x128xf32, #tpu.memory_space<vmem_shared>>
        %dma_wait3A_89 = tpu.memref_slice %arg2[%mul3A_0, %mul3A_83] : memref<10000x256xf32, #tpu.memory_space<hbm>> -> memref<624x128xf32, #tpu.memory_space<hbm>>
        tpu.wait_dma2 semaphore(%run_scoped3A : memref<!tpu.dma_semaphore, #tpu.memory_space<semaphore_mem>>) src(%dma_wait3A_89 : memref<624x128xf32, #tpu.memory_space<hbm>>) dst(%dma_wait3A_88 : memref<624x128xf32, #tpu.memory_space<vmem_shared>>)
        tpu.yield
      }) : () -> ()
    } else {
    }
    %eq3A = arith.constant 15 : i32
    %eq3A_54 = arith.cmpi eq, %arg1, %eq3A : i32
    %convert_element_type3A_55 = arith.extui %eq3A_54 : i1 to i32
    %cond3A_56 = arith.constant 0 : i32
    %cond3A_57 = arith.cmpi ne, %convert_element_type3A_55, %cond3A_56 : i32
    scf.if %cond3A_57 {
      %mul3A_82 = arith.constant 128 : i32
      %mul3A_83 = arith.muli %arg0, %mul3A_82 : i32
      "tpu.region"() ({
        %run_scoped3A = tpu.sem_alloc : memref<!tpu.dma_semaphore, #tpu.memory_space<semaphore_mem>>
        %dma_start3A_84 = arith.constant 0 : i32
        %dma_start3A_85 = tpu.memref_slice %arg7[%mul3A_0, %dma_start3A_84] : memref<10000x128xf32, #tpu.memory_space<vmem_shared>> -> memref<640x128xf32, #tpu.memory_space<vmem_shared>>
        %dma_start3A_86 = tpu.memref_slice %arg2[%mul3A_0, %mul3A_83] : memref<10000x256xf32, #tpu.memory_space<hbm>> -> memref<640x128xf32, #tpu.memory_space<hbm>>
        tpu.enqueue_dma source(%dma_start3A_86 : memref<640x128xf32, #tpu.memory_space<hbm>>) target(%dma_start3A_85 : memref<640x128xf32, #tpu.memory_space<vmem_shared>>) target_semaphore(%run_scoped3A : memref<!tpu.dma_semaphore, #tpu.memory_space<semaphore_mem>>)
        %dma_wait3A_87 = arith.constant 0 : i32
        %dma_wait3A_88 = tpu.memref_slice %arg7[%mul3A_0, %dma_wait3A_87] : memref<10000x128xf32, #tpu.memory_space<vmem_shared>> -> memref<640x128xf32, #tpu.memory_space<vmem_shared>>
        %dma_wait3A_89 = tpu.memref_slice %arg2[%mul3A_0, %mul3A_83] : memref<10000x256xf32, #tpu.memory_space<hbm>> -> memref<640x128xf32, #tpu.memory_space<hbm>>
        tpu.wait_dma2 semaphore(%run_scoped3A : memref<!tpu.dma_semaphore, #tpu.memory_space<semaphore_mem>>) src(%dma_wait3A_89 : memref<640x128xf32, #tpu.memory_space<hbm>>) dst(%dma_wait3A_88 : memref<640x128xf32, #tpu.memory_space<vmem_shared>>)
        tpu.yield
      }) : () -> ()
    } else {
    }
    %barrier3A = arith.constant 0 : index
    tpu.barrier barrier_id(%barrier3A)
    %scan3A = arith.constant 0 : i32
    %scan3A_58 = arith.constant 62 : i32
    %scan3A_59 = arith.addi %scan3A, %scan3A_58 : i32
    %scan3A_60 = arith.constant 1 : i32
    scf.for %scan3A_82 = %scan3A to %scan3A_59 step %scan3A_60  : i32 {
      %mul3A_83 = arith.constant 1 : i32
      %mul3A_84 = arith.muli %scan3A_82, %mul3A_83 : i32
      %add3A_85 = arith.constant 0 : i32
      %add3A_86 = arith.addi %add3A_85, %mul3A_84 : i32
      %mul3A_87 = arith.constant 2 : i32
      %mul3A_88 = arith.muli %mul3A_87, %add3A_86 : i32
      %dma_wait3A_89 = arith.constant 0 : i32
      %dma_wait3A_90 = arith.constant 0 : i32
      %dma_wait3A_91 = tpu.memref_slice %arg3[%dma_wait3A_89, %dma_wait3A_90] : memref<20000x128xf32, #tpu.memory_space<hbm>> -> memref<20000x128xf32, #tpu.memory_space<hbm>>
      tpu.wait_indirect_dma semaphore(%arg14 : memref<!tpu.dma_semaphore, #tpu.memory_space<semaphore_mem>>) src(%dma_wait3A_91 : memref<20000x128xf32, #tpu.memory_space<hbm>>) dst(%arg12 : memref<80x128xf32, #tpu.memory_space<vmem>>)
      %add3A_92 = arith.constant 2 : i32
      %add3A_93 = arith.addi %mul3A_88, %add3A_92 : i32
      %mul3A_94 = arith.constant 160000 : i32
      %mul3A_95 = arith.muli %arg0, %mul3A_94 : i32
      %mul3A_96 = arith.constant 10000 : i32
      %mul3A_97 = arith.muli %arg1, %mul3A_96 : i32
      %add3A_98 = arith.addi %mul3A_95, %mul3A_97 : i32
      %mul3A_99 = arith.constant 80 : i32
      %mul3A_100 = arith.muli %add3A_93, %mul3A_99 : i32
      %add3A_101 = arith.addi %add3A_98, %mul3A_100 : i32
      %dma_start3A_102 = tpu.memref_slice %arg4[%add3A_101] : memref<320000xi32, #tpu.memory_space<hbm>> -> memref<80xi32, #tpu.memory_space<hbm>>
      %dma_start3A_103 = tpu.memref_slice %arg4[%add3A_101] : memref<320000xi32, #tpu.memory_space<hbm>> -> memref<80xi32, #tpu.memory_space<hbm>>
      tpu.enqueue_dma source(%dma_start3A_103 : memref<80xi32, #tpu.memory_space<hbm>>) target(%arg8 : memref<80xi32, #tpu.memory_space<vmem>>) target_semaphore(%arg16 : memref<!tpu.dma_semaphore, #tpu.memory_space<semaphore_mem>>)
      %mul3A_104 = arith.constant 10000 : i32
      %mul3A_105 = arith.muli %arg1, %mul3A_104 : i32
      %mul3A_106 = arith.constant 80 : i32
      %mul3A_107 = arith.muli %mul3A_88, %mul3A_106 : i32
      %add3A_108 = arith.addi %mul3A_105, %mul3A_107 : i32
      %dma_wait3A_109 = tpu.memref_slice %arg5[%add3A_108] : memref<160000xi32, #tpu.memory_space<hbm>> -> memref<80xi32, #tpu.memory_space<hbm>>
      %dma_wait3A_110 = tpu.memref_slice %arg5[%add3A_108] : memref<160000xi32, #tpu.memory_space<hbm>> -> memref<80xi32, #tpu.memory_space<hbm>>
      tpu.wait_dma2 semaphore(%arg17 : memref<!tpu.dma_semaphore, #tpu.memory_space<semaphore_mem>>) src(%dma_wait3A_110 : memref<80xi32, #tpu.memory_space<hbm>>) dst(%arg9 : memref<80xi32, #tpu.memory_space<vmem>>)
      "tpu.region"() ({
        %run_scoped3A = tpu.sem_alloc : memref<!tpu.dma_semaphore, #tpu.memory_space<semaphore_mem>>
        %dma_start3A_161 = arith.constant 0 : i32
        %dma_start3A_162 = arith.constant 0 : i32
        %dma_start3A_163 = tpu.memref_slice %arg7[%dma_start3A_161, %dma_start3A_162] : memref<10000x128xf32, #tpu.memory_space<vmem_shared>> -> memref<10000x128xf32, #tpu.memory_space<vmem_shared>>
        tpu.enqueue_indirect_dma source(%arg12 : memref<80x128xf32, #tpu.memory_space<vmem>>) target(%dma_start3A_163 : memref<10000x128xf32, #tpu.memory_space<vmem_shared>>) offsets(%arg9 : memref<80xi32, #tpu.memory_space<vmem>>) semaphore(%run_scoped3A : memref<!tpu.dma_semaphore, #tpu.memory_space<semaphore_mem>>) {add = true}
        %dma_wait3A_164 = arith.constant 0 : i32
        %dma_wait3A_165 = arith.constant 0 : i32
        %dma_wait3A_166 = tpu.memref_slice %arg7[%dma_wait3A_164, %dma_wait3A_165] : memref<10000x128xf32, #tpu.memory_space<vmem_shared>> -> memref<10000x128xf32, #tpu.memory_space<vmem_shared>>
        tpu.wait_indirect_dma semaphore(%run_scoped3A : memref<!tpu.dma_semaphore, #tpu.memory_space<semaphore_mem>>) src(%arg12 : memref<80x128xf32, #tpu.memory_space<vmem>>) dst(%dma_wait3A_166 : memref<10000x128xf32, #tpu.memory_space<vmem_shared>>)
        tpu.yield
      }) : () -> ()
      %add3A_111 = arith.constant 2 : i32
      %add3A_112 = arith.addi %mul3A_88, %add3A_111 : i32
      %mul3A_113 = arith.constant 10000 : i32
      %mul3A_114 = arith.muli %arg1, %mul3A_113 : i32
      %mul3A_115 = arith.constant 80 : i32
      %mul3A_116 = arith.muli %add3A_112, %mul3A_115 : i32
      %add3A_117 = arith.addi %mul3A_114, %mul3A_116 : i32
      %dma_start3A_118 = tpu.memref_slice %arg5[%add3A_117] : memref<160000xi32, #tpu.memory_space<hbm>> -> memref<80xi32, #tpu.memory_space<hbm>>
      %dma_start3A_119 = tpu.memref_slice %arg5[%add3A_117] : memref<160000xi32, #tpu.memory_space<hbm>> -> memref<80xi32, #tpu.memory_space<hbm>>
      tpu.enqueue_dma source(%dma_start3A_119 : memref<80xi32, #tpu.memory_space<hbm>>) target(%arg9 : memref<80xi32, #tpu.memory_space<vmem>>) target_semaphore(%arg17 : memref<!tpu.dma_semaphore, #tpu.memory_space<semaphore_mem>>)
      %add3A_120 = arith.constant 2 : i32
      %add3A_121 = arith.addi %mul3A_88, %add3A_120 : i32
      %mul3A_122 = arith.constant 160000 : i32
      %mul3A_123 = arith.muli %arg0, %mul3A_122 : i32
      %mul3A_124 = arith.constant 10000 : i32
      %mul3A_125 = arith.muli %arg1, %mul3A_124 : i32
      %add3A_126 = arith.addi %mul3A_123, %mul3A_125 : i32
      %mul3A_127 = arith.constant 80 : i32
      %mul3A_128 = arith.muli %add3A_121, %mul3A_127 : i32
      %add3A_129 = arith.addi %add3A_126, %mul3A_128 : i32
      %dma_wait3A_130 = tpu.memref_slice %arg4[%add3A_129] : memref<320000xi32, #tpu.memory_space<hbm>> -> memref<80xi32, #tpu.memory_space<hbm>>
      %dma_wait3A_131 = tpu.memref_slice %arg4[%add3A_129] : memref<320000xi32, #tpu.memory_space<hbm>> -> memref<80xi32, #tpu.memory_space<hbm>>
      tpu.wait_dma2 semaphore(%arg16 : memref<!tpu.dma_semaphore, #tpu.memory_space<semaphore_mem>>) src(%dma_wait3A_131 : memref<80xi32, #tpu.memory_space<hbm>>) dst(%arg8 : memref<80xi32, #tpu.memory_space<vmem>>)
      %dma_start3A_132 = arith.constant 0 : i32
      %dma_start3A_133 = arith.constant 0 : i32
      %dma_start3A_134 = tpu.memref_slice %arg3[%dma_start3A_132, %dma_start3A_133] : memref<20000x128xf32, #tpu.memory_space<hbm>> -> memref<20000x128xf32, #tpu.memory_space<hbm>>
      tpu.enqueue_indirect_dma source(%dma_start3A_134 : memref<20000x128xf32, #tpu.memory_space<hbm>>) target(%arg12 : memref<80x128xf32, #tpu.memory_space<vmem>>) offsets(%arg8 : memref<80xi32, #tpu.memory_space<vmem>>) semaphore(%arg14 : memref<!tpu.dma_semaphore, #tpu.memory_space<semaphore_mem>>)
      %dma_wait3A_135 = arith.constant 0 : i32
      %dma_wait3A_136 = arith.constant 0 : i32
      %dma_wait3A_137 = tpu.memref_slice %arg3[%dma_wait3A_135, %dma_wait3A_136] : memref<20000x128xf32, #tpu.memory_space<hbm>> -> memref<20000x128xf32, #tpu.memory_space<hbm>>
      tpu.wait_indirect_dma semaphore(%arg15 : memref<!tpu.dma_semaphore, #tpu.memory_space<semaphore_mem>>) src(%dma_wait3A_137 : memref<20000x128xf32, #tpu.memory_space<hbm>>) dst(%arg13 : memref<80x128xf32, #tpu.memory_space<vmem>>)
      %add3A_138 = arith.constant 3 : i32
      %add3A_139 = arith.addi %mul3A_88, %add3A_138 : i32
      %lt3A_140 = arith.constant 125 : i32
      %lt3A_141 = arith.cmpi slt, %add3A_139, %lt3A_140 : i32
      %convert_element_type3A_142 = arith.extui %lt3A_141 : i1 to i32
      %cond3A_143 = arith.constant 0 : i32
      %cond3A_144 = arith.cmpi ne, %convert_element_type3A_142, %cond3A_143 : i32
      scf.if %cond3A_144 {
        %add3A_161 = arith.constant 3 : i32
        %add3A_162 = arith.addi %mul3A_88, %add3A_161 : i32
        %mul3A_163 = arith.constant 160000 : i32
        %mul3A_164 = arith.muli %arg0, %mul3A_163 : i32
        %mul3A_165 = arith.constant 10000 : i32
        %mul3A_166 = arith.muli %arg1, %mul3A_165 : i32
        %add3A_167 = arith.addi %mul3A_164, %mul3A_166 : i32
        %mul3A_168 = arith.constant 80 : i32
        %mul3A_169 = arith.muli %add3A_162, %mul3A_168 : i32
        %add3A_170 = arith.addi %add3A_167, %mul3A_169 : i32
        %dma_start3A_171 = tpu.memref_slice %arg4[%add3A_170] : memref<320000xi32, #tpu.memory_space<hbm>> -> memref<80xi32, #tpu.memory_space<hbm>>
        %dma_start3A_172 = tpu.memref_slice %arg4[%add3A_170] : memref<320000xi32, #tpu.memory_space<hbm>> -> memref<80xi32, #tpu.memory_space<hbm>>
        tpu.enqueue_dma source(%dma_start3A_172 : memref<80xi32, #tpu.memory_space<hbm>>) target(%arg10 : memref<80xi32, #tpu.memory_space<vmem>>) target_semaphore(%arg18 : memref<!tpu.dma_semaphore, #tpu.memory_space<semaphore_mem>>)
      } else {
      }
      %add3A_145 = arith.constant 1 : i32
      %add3A_146 = arith.addi %mul3A_88, %add3A_145 : i32
      %mul3A_147 = arith.constant 10000 : i32
      %mul3A_148 = arith.muli %arg1, %mul3A_147 : i32
      %mul3A_149 = arith.constant 80 : i32
      %mul3A_150 = arith.muli %add3A_146, %mul3A_149 : i32
      %add3A_151 = arith.addi %mul3A_148, %mul3A_150 : i32
      %dma_wait3A_152 = tpu.memref_slice %arg5[%add3A_151] : memref<160000xi32, #tpu.memory_space<hbm>> -> memref<80xi32, #tpu.memory_space<hbm>>
      %dma_wait3A_153 = tpu.memref_slice %arg5[%add3A_151] : memref<160000xi32, #tpu.memory_space<hbm>> -> memref<80xi32, #tpu.memory_space<hbm>>
      tpu.wait_dma2 semaphore(%arg19 : memref<!tpu.dma_semaphore, #tpu.memory_space<semaphore_mem>>) src(%dma_wait3A_153 : memref<80xi32, #tpu.memory_space<hbm>>) dst(%arg11 : memref<80xi32, #tpu.memory_space<vmem>>)
      "tpu.region"() ({
        %run_scoped3A = tpu.sem_alloc : memref<!tpu.dma_semaphore, #tpu.memory_space<semaphore_mem>>
        %dma_start3A_161 = arith.constant 0 : i32
        %dma_start3A_162 = arith.constant 0 : i32
        %dma_start3A_163 = tpu.memref_slice %arg7[%dma_start3A_161, %dma_start3A_162] : memref<10000x128xf32, #tpu.memory_space<vmem_shared>> -> memref<10000x128xf32, #tpu.memory_space<vmem_shared>>
        tpu.enqueue_indirect_dma source(%arg13 : memref<80x128xf32, #tpu.memory_space<vmem>>) target(%dma_start3A_163 : memref<10000x128xf32, #tpu.memory_space<vmem_shared>>) offsets(%arg11 : memref<80xi32, #tpu.memory_space<vmem>>) semaphore(%run_scoped3A : memref<!tpu.dma_semaphore, #tpu.memory_space<semaphore_mem>>) {add = true}
        %dma_wait3A_164 = arith.constant 0 : i32
        %dma_wait3A_165 = arith.constant 0 : i32
        %dma_wait3A_166 = tpu.memref_slice %arg7[%dma_wait3A_164, %dma_wait3A_165] : memref<10000x128xf32, #tpu.memory_space<vmem_shared>> -> memref<10000x128xf32, #tpu.memory_space<vmem_shared>>
        tpu.wait_indirect_dma semaphore(%run_scoped3A : memref<!tpu.dma_semaphore, #tpu.memory_space<semaphore_mem>>) src(%arg13 : memref<80x128xf32, #tpu.memory_space<vmem>>) dst(%dma_wait3A_166 : memref<10000x128xf32, #tpu.memory_space<vmem_shared>>)
        tpu.yield
      }) : () -> ()
      %add3A_154 = arith.constant 3 : i32
      %add3A_155 = arith.addi %mul3A_88, %add3A_154 : i32
      %lt3A_156 = arith.constant 125 : i32
      %lt3A_157 = arith.cmpi slt, %add3A_155, %lt3A_156 : i32
      %convert_element_type3A_158 = arith.extui %lt3A_157 : i1 to i32
      %cond3A_159 = arith.constant 0 : i32
      %cond3A_160 = arith.cmpi ne, %convert_element_type3A_158, %cond3A_159 : i32
      scf.if %cond3A_160 {
        %add3A_161 = arith.constant 3 : i32
        %add3A_162 = arith.addi %mul3A_88, %add3A_161 : i32
        %mul3A_163 = arith.constant 10000 : i32
        %mul3A_164 = arith.muli %arg1, %mul3A_163 : i32
        %mul3A_165 = arith.constant 80 : i32
        %mul3A_166 = arith.muli %add3A_162, %mul3A_165 : i32
        %add3A_167 = arith.addi %mul3A_164, %mul3A_166 : i32
        %dma_start3A_168 = tpu.memref_slice %arg5[%add3A_167] : memref<160000xi32, #tpu.memory_space<hbm>> -> memref<80xi32, #tpu.memory_space<hbm>>
        %dma_start3A_169 = tpu.memref_slice %arg5[%add3A_167] : memref<160000xi32, #tpu.memory_space<hbm>> -> memref<80xi32, #tpu.memory_space<hbm>>
        tpu.enqueue_dma source(%dma_start3A_169 : memref<80xi32, #tpu.memory_space<hbm>>) target(%arg11 : memref<80xi32, #tpu.memory_space<vmem>>) target_semaphore(%arg19 : memref<!tpu.dma_semaphore, #tpu.memory_space<semaphore_mem>>)
        %add3A_170 = arith.constant 3 : i32
        %add3A_171 = arith.addi %mul3A_88, %add3A_170 : i32
        %mul3A_172 = arith.constant 160000 : i32
        %mul3A_173 = arith.muli %arg0, %mul3A_172 : i32
        %mul3A_174 = arith.constant 10000 : i32
        %mul3A_175 = arith.muli %arg1, %mul3A_174 : i32
        %add3A_176 = arith.addi %mul3A_173, %mul3A_175 : i32
        %mul3A_177 = arith.constant 80 : i32
        %mul3A_178 = arith.muli %add3A_171, %mul3A_177 : i32
        %add3A_179 = arith.addi %add3A_176, %mul3A_178 : i32
        %dma_wait3A_180 = tpu.memref_slice %arg4[%add3A_179] : memref<320000xi32, #tpu.memory_space<hbm>> -> memref<80xi32, #tpu.memory_space<hbm>>
        %dma_wait3A_181 = tpu.memref_slice %arg4[%add3A_179] : memref<320000xi32, #tpu.memory_space<hbm>> -> memref<80xi32, #tpu.memory_space<hbm>>
        tpu.wait_dma2 semaphore(%arg18 : memref<!tpu.dma_semaphore, #tpu.memory_space<semaphore_mem>>) src(%dma_wait3A_181 : memref<80xi32, #tpu.memory_space<hbm>>) dst(%arg10 : memref<80xi32, #tpu.memory_space<vmem>>)
        %dma_start3A_182 = arith.constant 0 : i32
        %dma_start3A_183 = arith.constant 0 : i32
        %dma_start3A_184 = tpu.memref_slice %arg3[%dma_start3A_182, %dma_start3A_183] : memref<20000x128xf32, #tpu.memory_space<hbm>> -> memref<20000x128xf32, #tpu.memory_space<hbm>>
        tpu.enqueue_indirect_dma source(%dma_start3A_184 : memref<20000x128xf32, #tpu.memory_space<hbm>>) target(%arg13 : memref<80x128xf32, #tpu.memory_space<vmem>>) offsets(%arg10 : memref<80xi32, #tpu.memory_space<vmem>>) semaphore(%arg15 : memref<!tpu.dma_semaphore, #tpu.memory_space<semaphore_mem>>)
      } else {
      }
    }
    %scan3A_61 = arith.constant 62 : i32
    %dma_wait3A_62 = arith.constant 0 : i32
    %dma_wait3A_63 = arith.constant 0 : i32
    %dma_wait3A_64 = tpu.memref_slice %arg3[%dma_wait3A_62, %dma_wait3A_63] : memref<20000x128xf32, #tpu.memory_space<hbm>> -> memref<20000x128xf32, #tpu.memory_space<hbm>>
    tpu.wait_indirect_dma semaphore(%arg14 : memref<!tpu.dma_semaphore, #tpu.memory_space<semaphore_mem>>) src(%dma_wait3A_64 : memref<20000x128xf32, #tpu.memory_space<hbm>>) dst(%arg12 : memref<80x128xf32, #tpu.memory_space<vmem>>)
    %mul3A_65 = arith.constant 10000 : i32
    %mul3A_66 = arith.muli %arg1, %mul3A_65 : i32
    %add3A_67 = arith.constant 9920 : i32
    %add3A_68 = arith.addi %mul3A_66, %add3A_67 : i32
    %dma_wait3A_69 = tpu.memref_slice %arg5[%add3A_68] : memref<160000xi32, #tpu.memory_space<hbm>> -> memref<80xi32, #tpu.memory_space<hbm>>
    %dma_wait3A_70 = tpu.memref_slice %arg5[%add3A_68] : memref<160000xi32, #tpu.memory_space<hbm>> -> memref<80xi32, #tpu.memory_space<hbm>>
    tpu.wait_dma2 semaphore(%arg17 : memref<!tpu.dma_semaphore, #tpu.memory_space<semaphore_mem>>) src(%dma_wait3A_70 : memref<80xi32, #tpu.memory_space<hbm>>) dst(%arg9 : memref<80xi32, #tpu.memory_space<vmem>>)
    "tpu.region"() ({
      %run_scoped3A = tpu.sem_alloc : memref<!tpu.dma_semaphore, #tpu.memory_space<semaphore_mem>>
      %dma_start3A_82 = arith.constant 0 : i32
      %dma_start3A_83 = arith.constant 0 : i32
      %dma_start3A_84 = tpu.memref_slice %arg7[%dma_start3A_82, %dma_start3A_83] : memref<10000x128xf32, #tpu.memory_space<vmem_shared>> -> memref<10000x128xf32, #tpu.memory_space<vmem_shared>>
      tpu.enqueue_indirect_dma source(%arg12 : memref<80x128xf32, #tpu.memory_space<vmem>>) target(%dma_start3A_84 : memref<10000x128xf32, #tpu.memory_space<vmem_shared>>) offsets(%arg9 : memref<80xi32, #tpu.memory_space<vmem>>) semaphore(%run_scoped3A : memref<!tpu.dma_semaphore, #tpu.memory_space<semaphore_mem>>) {add = true}
      %dma_wait3A_85 = arith.constant 0 : i32
      %dma_wait3A_86 = arith.constant 0 : i32
      %dma_wait3A_87 = tpu.memref_slice %arg7[%dma_wait3A_85, %dma_wait3A_86] : memref<10000x128xf32, #tpu.memory_space<vmem_shared>> -> memref<10000x128xf32, #tpu.memory_space<vmem_shared>>
      tpu.wait_indirect_dma semaphore(%run_scoped3A : memref<!tpu.dma_semaphore, #tpu.memory_space<semaphore_mem>>) src(%arg12 : memref<80x128xf32, #tpu.memory_space<vmem>>) dst(%dma_wait3A_87 : memref<10000x128xf32, #tpu.memory_space<vmem_shared>>)
      tpu.yield
    }) : () -> ()
    %barrier3A_71 = arith.constant 0 : index
    tpu.barrier barrier_id(%barrier3A_71)
    %lt3A_72 = arith.constant 15 : i32
    %lt3A_73 = arith.cmpi slt, %arg1, %lt3A_72 : i32
    %convert_element_type3A_74 = arith.extui %lt3A_73 : i1 to i32
    %cond3A_75 = arith.constant 0 : i32
    %cond3A_76 = arith.cmpi ne, %convert_element_type3A_74, %cond3A_75 : i32
    scf.if %cond3A_76 {
      %mul3A_82 = arith.constant 128 : i32
      %mul3A_83 = arith.muli %arg0, %mul3A_82 : i32
      "tpu.region"() ({
        %run_scoped3A = tpu.sem_alloc : memref<!tpu.dma_semaphore, #tpu.memory_space<semaphore_mem>>
        %dma_start3A_84 = tpu.memref_slice %arg6[%mul3A_0, %mul3A_83] : memref<10000x256xf32, #tpu.memory_space<hbm>> -> memref<624x128xf32, #tpu.memory_space<hbm>>
        %dma_start3A_85 = arith.constant 0 : i32
        %dma_start3A_86 = tpu.memref_slice %arg7[%mul3A_0, %dma_start3A_85] : memref<10000x128xf32, #tpu.memory_space<vmem_shared>> -> memref<624x128xf32, #tpu.memory_space<vmem_shared>>
        tpu.enqueue_dma source(%dma_start3A_86 : memref<624x128xf32, #tpu.memory_space<vmem_shared>>) target(%dma_start3A_84 : memref<624x128xf32, #tpu.memory_space<hbm>>) target_semaphore(%run_scoped3A : memref<!tpu.dma_semaphore, #tpu.memory_space<semaphore_mem>>)
        %dma_wait3A_87 = tpu.memref_slice %arg6[%mul3A_0, %mul3A_83] : memref<10000x256xf32, #tpu.memory_space<hbm>> -> memref<624x128xf32, #tpu.memory_space<hbm>>
        %dma_wait3A_88 = arith.constant 0 : i32
        %dma_wait3A_89 = tpu.memref_slice %arg7[%mul3A_0, %dma_wait3A_88] : memref<10000x128xf32, #tpu.memory_space<vmem_shared>> -> memref<624x128xf32, #tpu.memory_space<vmem_shared>>
        tpu.wait_dma2 semaphore(%run_scoped3A : memref<!tpu.dma_semaphore, #tpu.memory_space<semaphore_mem>>) src(%dma_wait3A_89 : memref<624x128xf32, #tpu.memory_space<vmem_shared>>) dst(%dma_wait3A_87 : memref<624x128xf32, #tpu.memory_space<hbm>>)
        tpu.yield
      }) : () -> ()
    } else {
    }
    %eq3A_77 = arith.constant 15 : i32
    %eq3A_78 = arith.cmpi eq, %arg1, %eq3A_77 : i32
    %convert_element_type3A_79 = arith.extui %eq3A_78 : i1 to i32
    %cond3A_80 = arith.constant 0 : i32
    %cond3A_81 = arith.cmpi ne, %convert_element_type3A_79, %cond3A_80 : i32
    scf.if %cond3A_81 {
      %mul3A_82 = arith.constant 128 : i32
      %mul3A_83 = arith.muli %arg0, %mul3A_82 : i32
      "tpu.region"() ({
        %run_scoped3A = tpu.sem_alloc : memref<!tpu.dma_semaphore, #tpu.memory_space<semaphore_mem>>
        %dma_start3A_84 = tpu.memref_slice %arg6[%mul3A_0, %mul3A_83] : memref<10000x256xf32, #tpu.memory_space<hbm>> -> memref<640x128xf32, #tpu.memory_space<hbm>>
        %dma_start3A_85 = arith.constant 0 : i32
        %dma_start3A_86 = tpu.memref_slice %arg7[%mul3A_0, %dma_start3A_85] : memref<10000x128xf32, #tpu.memory_space<vmem_shared>> -> memref<640x128xf32, #tpu.memory_space<vmem_shared>>
        tpu.enqueue_dma source(%dma_start3A_86 : memref<640x128xf32, #tpu.memory_space<vmem_shared>>) target(%dma_start3A_84 : memref<640x128xf32, #tpu.memory_space<hbm>>) target_semaphore(%run_scoped3A : memref<!tpu.dma_semaphore, #tpu.memory_space<semaphore_mem>>)
        %dma_wait3A_87 = tpu.memref_slice %arg6[%mul3A_0, %mul3A_83] : memref<10000x256xf32, #tpu.memory_space<hbm>> -> memref<640x128xf32, #tpu.memory_space<hbm>>
        %dma_wait3A_88 = arith.constant 0 : i32
        %dma_wait3A_89 = tpu.memref_slice %arg7[%mul3A_0, %dma_wait3A_88] : memref<10000x128xf32, #tpu.memory_space<vmem_shared>> -> memref<640x128xf32, #tpu.memory_space<vmem_shared>>
        tpu.wait_dma2 semaphore(%run_scoped3A : memref<!tpu.dma_semaphore, #tpu.memory_space<semaphore_mem>>) src(%dma_wait3A_89 : memref<640x128xf32, #tpu.memory_space<vmem_shared>>) dst(%dma_wait3A_87 : memref<640x128xf32, #tpu.memory_space<hbm>>)
        tpu.yield
      }) : () -> ()
    } else {
    }
    return
  }
}

module attributes {stable_mosaic.version = 14 : i64} {
  func.func @_mlp_bn_body(%arg0: i32, %arg1: memref<1000x256xf32, #tpu.memory_space<vmem>>, %arg2: memref<256x256xf32, #tpu.memory_space<vmem>>, %arg3: memref<1x256xf32, #tpu.memory_space<vmem>>, %arg4: memref<256x256xf32, #tpu.memory_space<vmem>>, %arg5: memref<1x256xf32, #tpu.memory_space<vmem>>, %arg6: memref<1x256xf32, #tpu.memory_space<vmem>>, %arg7: memref<1x256xf32, #tpu.memory_space<vmem>>, %arg8: memref<10000x256xf32, #tpu.memory_space<vmem>>, %arg9: memref<1x256xf32, #tpu.memory_space<vmem>>) attributes {dimension_semantics = [#tpu.dimension_semantics<arbitrary>], iteration_bounds = array<i64: 10>, scalar_prefetch = 0 : i64, scratch_operands = 1 : i64, tpu.core_type = #tpu.core_type<tc>, window_params = [{transform_indices = @transform_0, window_bounds = array<i64: 1000, 256>}, {pipeline_mode = #tpu.pipeline_mode<synchronous>, transform_indices = @transform_1, window_bounds = array<i64: 256, 256>}, {pipeline_mode = #tpu.pipeline_mode<synchronous>, transform_indices = @transform_2, window_bounds = array<i64: 1, 256>}, {pipeline_mode = #tpu.pipeline_mode<synchronous>, transform_indices = @transform_3, window_bounds = array<i64: 256, 256>}, {pipeline_mode = #tpu.pipeline_mode<synchronous>, transform_indices = @transform_4, window_bounds = array<i64: 1, 256>}, {pipeline_mode = #tpu.pipeline_mode<synchronous>, transform_indices = @transform_5, window_bounds = array<i64: 1, 256>}, {pipeline_mode = #tpu.pipeline_mode<synchronous>, transform_indices = @transform_6, window_bounds = array<i64: 1, 256>}, {pipeline_mode = #tpu.pipeline_mode<synchronous>, transform_indices = @transform_7, window_bounds = array<i64: 10000, 256>}]} {
    %get3A = arith.constant 0 : index
    %get3A_0 = arith.constant 0 : index
    %get3A_1 = vector.load %arg1[%get3A, %get3A_0] : memref<1000x256xf32, #tpu.memory_space<vmem>>, vector<1000x256xf32>
    %get3A_2 = arith.constant 0 : index
    %get3A_3 = arith.constant 0 : index
    %get3A_4 = vector.load %arg2[%get3A_2, %get3A_3] : memref<256x256xf32, #tpu.memory_space<vmem>>, vector<256x256xf32>
    %dot_general3A = arith.constant dense<0.000000e+00> : vector<1000x256xf32>
    %dot_general3A_5 = tpu.matmul %get3A_1, %get3A_4, %dot_general3A {dimension_numbers = #tpu.dot_dimension_numbers<[1], [0], [0], [1], [0, 0, 1, 1], [], []>, transpose_lhs_hint = false} : vector<1000x256xf32>, vector<256x256xf32>, vector<1000x256xf32> -> vector<1000x256xf32>
    %get3A_6 = arith.constant 0 : index
    %get3A_7 = arith.constant 0 : index
    %get3A_8 = vector.load %arg3[%get3A_6, %get3A_7] : memref<1x256xf32, #tpu.memory_space<vmem>>, vector<1x256xf32>
    %add3A = vector.broadcast %get3A_8 : vector<1x256xf32> to vector<1000x256xf32>
    %add3A_9 = arith.addf %dot_general3A_5, %add3A : vector<1000x256xf32>
    %max3A = arith.constant 0.000000e+00 : f32
    %max3A_10 = vector.broadcast %max3A : f32 to vector<1000x256xf32>
    %max3A_11 = arith.maximumf %add3A_9, %max3A_10 : vector<1000x256xf32>
    %get3A_12 = arith.constant 0 : index
    %get3A_13 = arith.constant 0 : index
    %get3A_14 = vector.load %arg4[%get3A_12, %get3A_13] : memref<256x256xf32, #tpu.memory_space<vmem>>, vector<256x256xf32>
    %dot_general3A_15 = arith.constant dense<0.000000e+00> : vector<1000x256xf32>
    %dot_general3A_16 = tpu.matmul %max3A_11, %get3A_14, %dot_general3A_15 {dimension_numbers = #tpu.dot_dimension_numbers<[1], [0], [0], [1], [0, 0, 1, 1], [], []>, transpose_lhs_hint = false} : vector<1000x256xf32>, vector<256x256xf32>, vector<1000x256xf32> -> vector<1000x256xf32>
    %get3A_17 = arith.constant 0 : index
    %get3A_18 = arith.constant 0 : index
    %get3A_19 = vector.load %arg5[%get3A_17, %get3A_18] : memref<1x256xf32, #tpu.memory_space<vmem>>, vector<1x256xf32>
    %add3A_20 = vector.broadcast %get3A_19 : vector<1x256xf32> to vector<1000x256xf32>
    %add3A_21 = arith.addf %dot_general3A_16, %add3A_20 : vector<1000x256xf32>
    %max3A_22 = arith.constant 0.000000e+00 : f32
    %max3A_23 = vector.broadcast %max3A_22 : f32 to vector<1000x256xf32>
    %max3A_24 = arith.maximumf %add3A_21, %max3A_23 : vector<1000x256xf32>
    %mul3A = arith.constant 1000 : i32
    %mul3A_25 = arith.muli %arg0, %mul3A : i32
    %swap3A = arith.index_cast %mul3A_25 : i32 to index
    %swap3A_26 = arith.constant 0 : index
    %swap3A_27 = vector.load %arg8[%swap3A, %swap3A_26] : memref<10000x256xf32, #tpu.memory_space<vmem>>, vector<1000x256xf32>
    tpu.vector_store %arg8[%swap3A, %swap3A_26], %max3A_24 {strides = array<i32>} : memref<10000x256xf32, #tpu.memory_space<vmem>>, vector<1000x256xf32>,
    %reduce_sum3A = arith.constant dense<0.000000e+00> : vector<256xf32>
    %reduce_sum3A_28 = vector.multi_reduction <add>, %max3A_24, %reduce_sum3A [0] : vector<1000x256xf32> to vector<256xf32>
    %broadcast_in_dim3A = vector.shape_cast %reduce_sum3A_28 : vector<256xf32> to vector<1x256xf32>
    %eq3A = arith.constant 0 : i32
    %eq3A_29 = arith.cmpi eq, %arg0, %eq3A : i32
    %convert_element_type3A = arith.extui %eq3A_29 : i1 to i32
    %cond3A = arith.constant 0 : i32
    %cond3A_30 = arith.cmpi ne, %convert_element_type3A, %cond3A : i32
    scf.if %cond3A_30 {
      %swap3A_40 = arith.constant 0 : index
      %swap3A_41 = arith.constant 0 : index
      %swap3A_42 = vector.load %arg9[%swap3A_40, %swap3A_41] : memref<1x256xf32, #tpu.memory_space<vmem>>, vector<1x256xf32>
      tpu.vector_store %arg9[%swap3A_40, %swap3A_41], %broadcast_in_dim3A {strides = array<i32>} : memref<1x256xf32, #tpu.memory_space<vmem>>, vector<1x256xf32>,
    } else {
    }
    %gt3A = arith.constant 0 : i32
    %gt3A_31 = arith.cmpi sgt, %arg0, %gt3A : i32
    %convert_element_type3A_32 = arith.extui %gt3A_31 : i1 to i32
    %cond3A_33 = arith.constant 0 : i32
    %cond3A_34 = arith.cmpi ne, %convert_element_type3A_32, %cond3A_33 : i32
    scf.if %cond3A_34 {
      %get3A_40 = arith.constant 0 : index
      %get3A_41 = arith.constant 0 : index
      %get3A_42 = vector.load %arg9[%get3A_40, %get3A_41] : memref<1x256xf32, #tpu.memory_space<vmem>>, vector<1x256xf32>
      %add3A_43 = arith.addf %get3A_42, %broadcast_in_dim3A : vector<1x256xf32>
      %swap3A_44 = arith.constant 0 : index
      %swap3A_45 = arith.constant 0 : index
      %swap3A_46 = vector.load %arg9[%swap3A_44, %swap3A_45] : memref<1x256xf32, #tpu.memory_space<vmem>>, vector<1x256xf32>
      tpu.vector_store %arg9[%swap3A_44, %swap3A_45], %add3A_43 {strides = array<i32>} : memref<1x256xf32, #tpu.memory_space<vmem>>, vector<1x256xf32>,
    } else {
    }
    %eq3A_35 = arith.constant 9 : i32
    %eq3A_36 = arith.cmpi eq, %arg0, %eq3A_35 : i32
    %convert_element_type3A_37 = arith.extui %eq3A_36 : i1 to i32
    %cond3A_38 = arith.constant 0 : i32
    %cond3A_39 = arith.cmpi ne, %convert_element_type3A_37, %cond3A_38 : i32
    scf.if %cond3A_39 {
      %get3A_40 = arith.constant 0 : index
      %get3A_41 = arith.constant 0 : index
      %get3A_42 = vector.load %arg9[%get3A_40, %get3A_41] : memref<1x256xf32, #tpu.memory_space<vmem>>, vector<1x256xf32>
      %div3A = arith.constant 1.000000e+04 : f32
      %div3A_43 = vector.broadcast %div3A : f32 to vector<1x256xf32>
      %div3A_44 = arith.divf %get3A_42, %div3A_43 : vector<1x256xf32>
      %broadcast_in_dim3A_45 = arith.constant 0.000000e+00 : f32
      %broadcast_in_dim3A_46 = vector.broadcast %broadcast_in_dim3A_45 : f32 to vector<1x256xf32>
      %get3A_47 = arith.constant 0 : index
      %get3A_48 = arith.constant 0 : index
      %get3A_49 = vector.load %arg8[%get3A_47, %get3A_48] : memref<10000x256xf32, #tpu.memory_space<vmem>>, vector<1000x256xf32>
      %sub3A = vector.broadcast %div3A_44 : vector<1x256xf32> to vector<1000x256xf32>
      %sub3A_50 = arith.subf %get3A_49, %sub3A : vector<1000x256xf32>
      %mul3A_51 = arith.mulf %sub3A_50, %sub3A_50 : vector<1000x256xf32>
      %reduce_sum3A_52 = arith.constant dense<0.000000e+00> : vector<256xf32>
      %reduce_sum3A_53 = vector.multi_reduction <add>, %mul3A_51, %reduce_sum3A_52 [0] : vector<1000x256xf32> to vector<256xf32>
      %broadcast_in_dim3A_54 = vector.shape_cast %reduce_sum3A_53 : vector<256xf32> to vector<1x256xf32>
      %add3A_55 = arith.addf %broadcast_in_dim3A_46, %broadcast_in_dim3A_54 : vector<1x256xf32>
      %get3A_56 = arith.constant 1000 : index
      %get3A_57 = arith.constant 0 : index
      %get3A_58 = vector.load %arg8[%get3A_56, %get3A_57] : memref<10000x256xf32, #tpu.memory_space<vmem>>, vector<1000x256xf32>
      %sub3A_59 = vector.broadcast %div3A_44 : vector<1x256xf32> to vector<1000x256xf32>
      %sub3A_60 = arith.subf %get3A_58, %sub3A_59 : vector<1000x256xf32>
      %mul3A_61 = arith.mulf %sub3A_60, %sub3A_60 : vector<1000x256xf32>
      %reduce_sum3A_62 = arith.constant dense<0.000000e+00> : vector<256xf32>
      %reduce_sum3A_63 = vector.multi_reduction <add>, %mul3A_61, %reduce_sum3A_62 [0] : vector<1000x256xf32> to vector<256xf32>
      %broadcast_in_dim3A_64 = vector.shape_cast %reduce_sum3A_63 : vector<256xf32> to vector<1x256xf32>
      %add3A_65 = arith.addf %add3A_55, %broadcast_in_dim3A_64 : vector<1x256xf32>
      %get3A_66 = arith.constant 2000 : index
      %get3A_67 = arith.constant 0 : index
      %get3A_68 = vector.load %arg8[%get3A_66, %get3A_67] : memref<10000x256xf32, #tpu.memory_space<vmem>>, vector<1000x256xf32>
      %sub3A_69 = vector.broadcast %div3A_44 : vector<1x256xf32> to vector<1000x256xf32>
      %sub3A_70 = arith.subf %get3A_68, %sub3A_69 : vector<1000x256xf32>
      %mul3A_71 = arith.mulf %sub3A_70, %sub3A_70 : vector<1000x256xf32>
      %reduce_sum3A_72 = arith.constant dense<0.000000e+00> : vector<256xf32>
      %reduce_sum3A_73 = vector.multi_reduction <add>, %mul3A_71, %reduce_sum3A_72 [0] : vector<1000x256xf32> to vector<256xf32>
      %broadcast_in_dim3A_74 = vector.shape_cast %reduce_sum3A_73 : vector<256xf32> to vector<1x256xf32>
      %add3A_75 = arith.addf %add3A_65, %broadcast_in_dim3A_74 : vector<1x256xf32>
      %get3A_76 = arith.constant 3000 : index
      %get3A_77 = arith.constant 0 : index
      %get3A_78 = vector.load %arg8[%get3A_76, %get3A_77] : memref<10000x256xf32, #tpu.memory_space<vmem>>, vector<1000x256xf32>
      %sub3A_79 = vector.broadcast %div3A_44 : vector<1x256xf32> to vector<1000x256xf32>
      %sub3A_80 = arith.subf %get3A_78, %sub3A_79 : vector<1000x256xf32>
      %mul3A_81 = arith.mulf %sub3A_80, %sub3A_80 : vector<1000x256xf32>
      %reduce_sum3A_82 = arith.constant dense<0.000000e+00> : vector<256xf32>
      %reduce_sum3A_83 = vector.multi_reduction <add>, %mul3A_81, %reduce_sum3A_82 [0] : vector<1000x256xf32> to vector<256xf32>
      %broadcast_in_dim3A_84 = vector.shape_cast %reduce_sum3A_83 : vector<256xf32> to vector<1x256xf32>
      %add3A_85 = arith.addf %add3A_75, %broadcast_in_dim3A_84 : vector<1x256xf32>
      %get3A_86 = arith.constant 4000 : index
      %get3A_87 = arith.constant 0 : index
      %get3A_88 = vector.load %arg8[%get3A_86, %get3A_87] : memref<10000x256xf32, #tpu.memory_space<vmem>>, vector<1000x256xf32>
      %sub3A_89 = vector.broadcast %div3A_44 : vector<1x256xf32> to vector<1000x256xf32>
      %sub3A_90 = arith.subf %get3A_88, %sub3A_89 : vector<1000x256xf32>
      %mul3A_91 = arith.mulf %sub3A_90, %sub3A_90 : vector<1000x256xf32>
      %reduce_sum3A_92 = arith.constant dense<0.000000e+00> : vector<256xf32>
      %reduce_sum3A_93 = vector.multi_reduction <add>, %mul3A_91, %reduce_sum3A_92 [0] : vector<1000x256xf32> to vector<256xf32>
      %broadcast_in_dim3A_94 = vector.shape_cast %reduce_sum3A_93 : vector<256xf32> to vector<1x256xf32>
      %add3A_95 = arith.addf %add3A_85, %broadcast_in_dim3A_94 : vector<1x256xf32>
      %get3A_96 = arith.constant 5000 : index
      %get3A_97 = arith.constant 0 : index
      %get3A_98 = vector.load %arg8[%get3A_96, %get3A_97] : memref<10000x256xf32, #tpu.memory_space<vmem>>, vector<1000x256xf32>
      %sub3A_99 = vector.broadcast %div3A_44 : vector<1x256xf32> to vector<1000x256xf32>
      %sub3A_100 = arith.subf %get3A_98, %sub3A_99 : vector<1000x256xf32>
      %mul3A_101 = arith.mulf %sub3A_100, %sub3A_100 : vector<1000x256xf32>
      %reduce_sum3A_102 = arith.constant dense<0.000000e+00> : vector<256xf32>
      %reduce_sum3A_103 = vector.multi_reduction <add>, %mul3A_101, %reduce_sum3A_102 [0] : vector<1000x256xf32> to vector<256xf32>
      %broadcast_in_dim3A_104 = vector.shape_cast %reduce_sum3A_103 : vector<256xf32> to vector<1x256xf32>
      %add3A_105 = arith.addf %add3A_95, %broadcast_in_dim3A_104 : vector<1x256xf32>
      %get3A_106 = arith.constant 6000 : index
      %get3A_107 = arith.constant 0 : index
      %get3A_108 = vector.load %arg8[%get3A_106, %get3A_107] : memref<10000x256xf32, #tpu.memory_space<vmem>>, vector<1000x256xf32>
      %sub3A_109 = vector.broadcast %div3A_44 : vector<1x256xf32> to vector<1000x256xf32>
      %sub3A_110 = arith.subf %get3A_108, %sub3A_109 : vector<1000x256xf32>
      %mul3A_111 = arith.mulf %sub3A_110, %sub3A_110 : vector<1000x256xf32>
      %reduce_sum3A_112 = arith.constant dense<0.000000e+00> : vector<256xf32>
      %reduce_sum3A_113 = vector.multi_reduction <add>, %mul3A_111, %reduce_sum3A_112 [0] : vector<1000x256xf32> to vector<256xf32>
      %broadcast_in_dim3A_114 = vector.shape_cast %reduce_sum3A_113 : vector<256xf32> to vector<1x256xf32>
      %add3A_115 = arith.addf %add3A_105, %broadcast_in_dim3A_114 : vector<1x256xf32>
      %get3A_116 = arith.constant 7000 : index
      %get3A_117 = arith.constant 0 : index
      %get3A_118 = vector.load %arg8[%get3A_116, %get3A_117] : memref<10000x256xf32, #tpu.memory_space<vmem>>, vector<1000x256xf32>
      %sub3A_119 = vector.broadcast %div3A_44 : vector<1x256xf32> to vector<1000x256xf32>
      %sub3A_120 = arith.subf %get3A_118, %sub3A_119 : vector<1000x256xf32>
      %mul3A_121 = arith.mulf %sub3A_120, %sub3A_120 : vector<1000x256xf32>
      %reduce_sum3A_122 = arith.constant dense<0.000000e+00> : vector<256xf32>
      %reduce_sum3A_123 = vector.multi_reduction <add>, %mul3A_121, %reduce_sum3A_122 [0] : vector<1000x256xf32> to vector<256xf32>
      %broadcast_in_dim3A_124 = vector.shape_cast %reduce_sum3A_123 : vector<256xf32> to vector<1x256xf32>
      %add3A_125 = arith.addf %add3A_115, %broadcast_in_dim3A_124 : vector<1x256xf32>
      %get3A_126 = arith.constant 8000 : index
      %get3A_127 = arith.constant 0 : index
      %get3A_128 = vector.load %arg8[%get3A_126, %get3A_127] : memref<10000x256xf32, #tpu.memory_space<vmem>>, vector<1000x256xf32>
      %sub3A_129 = vector.broadcast %div3A_44 : vector<1x256xf32> to vector<1000x256xf32>
      %sub3A_130 = arith.subf %get3A_128, %sub3A_129 : vector<1000x256xf32>
      %mul3A_131 = arith.mulf %sub3A_130, %sub3A_130 : vector<1000x256xf32>
      %reduce_sum3A_132 = arith.constant dense<0.000000e+00> : vector<256xf32>
      %reduce_sum3A_133 = vector.multi_reduction <add>, %mul3A_131, %reduce_sum3A_132 [0] : vector<1000x256xf32> to vector<256xf32>
      %broadcast_in_dim3A_134 = vector.shape_cast %reduce_sum3A_133 : vector<256xf32> to vector<1x256xf32>
      %add3A_135 = arith.addf %add3A_125, %broadcast_in_dim3A_134 : vector<1x256xf32>
      %get3A_136 = arith.constant 9000 : index
      %get3A_137 = arith.constant 0 : index
      %get3A_138 = vector.load %arg8[%get3A_136, %get3A_137] : memref<10000x256xf32, #tpu.memory_space<vmem>>, vector<1000x256xf32>
      %sub3A_139 = vector.broadcast %div3A_44 : vector<1x256xf32> to vector<1000x256xf32>
      %sub3A_140 = arith.subf %get3A_138, %sub3A_139 : vector<1000x256xf32>
      %mul3A_141 = arith.mulf %sub3A_140, %sub3A_140 : vector<1000x256xf32>
      %reduce_sum3A_142 = arith.constant dense<0.000000e+00> : vector<256xf32>
      %reduce_sum3A_143 = vector.multi_reduction <add>, %mul3A_141, %reduce_sum3A_142 [0] : vector<1000x256xf32> to vector<256xf32>
      %broadcast_in_dim3A_144 = vector.shape_cast %reduce_sum3A_143 : vector<256xf32> to vector<1x256xf32>
      %add3A_145 = arith.addf %add3A_135, %broadcast_in_dim3A_144 : vector<1x256xf32>
      %div3A_146 = arith.constant 1.000000e+04 : f32
      %div3A_147 = vector.broadcast %div3A_146 : f32 to vector<1x256xf32>
      %div3A_148 = arith.divf %add3A_145, %div3A_147 : vector<1x256xf32>
      %add3A_149 = arith.constant 9.99999974E-6 : f32
      %add3A_150 = vector.broadcast %add3A_149 : f32 to vector<1x256xf32>
      %add3A_151 = arith.addf %div3A_148, %add3A_150 : vector<1x256xf32>
      %rsqrt3A = math.rsqrt %add3A_151 : vector<1x256xf32>
      %get3A_152 = arith.constant 0 : index
      %get3A_153 = arith.constant 0 : index
      %get3A_154 = vector.load %arg6[%get3A_152, %get3A_153] : memref<1x256xf32, #tpu.memory_space<vmem>>, vector<1x256xf32>
      %mul3A_155 = arith.mulf %rsqrt3A, %get3A_154 : vector<1x256xf32>
      %get3A_156 = arith.constant 0 : index
      %get3A_157 = arith.constant 0 : index
      %get3A_158 = vector.load %arg7[%get3A_156, %get3A_157] : memref<1x256xf32, #tpu.memory_space<vmem>>, vector<1x256xf32>
      %mul3A_159 = arith.mulf %div3A_44, %mul3A_155 : vector<1x256xf32>
      %sub3A_160 = arith.subf %get3A_158, %mul3A_159 : vector<1x256xf32>
      %get3A_161 = arith.constant 0 : index
      %get3A_162 = arith.constant 0 : index
      %get3A_163 = vector.load %arg8[%get3A_161, %get3A_162] : memref<10000x256xf32, #tpu.memory_space<vmem>>, vector<1000x256xf32>
      %mul3A_164 = vector.broadcast %mul3A_155 : vector<1x256xf32> to vector<1000x256xf32>
      %mul3A_165 = arith.mulf %get3A_163, %mul3A_164 : vector<1000x256xf32>
      %add3A_166 = vector.broadcast %sub3A_160 : vector<1x256xf32> to vector<1000x256xf32>
      %add3A_167 = arith.addf %mul3A_165, %add3A_166 : vector<1000x256xf32>
      %swap3A_168 = arith.constant 0 : index
      %swap3A_169 = arith.constant 0 : index
      %swap3A_170 = vector.load %arg8[%swap3A_168, %swap3A_169] : memref<10000x256xf32, #tpu.memory_space<vmem>>, vector<1000x256xf32>
      tpu.vector_store %arg8[%swap3A_168, %swap3A_169], %add3A_167 {strides = array<i32>} : memref<10000x256xf32, #tpu.memory_space<vmem>>, vector<1000x256xf32>,
      %get3A_171 = arith.constant 1000 : index
      %get3A_172 = arith.constant 0 : index
      %get3A_173 = vector.load %arg8[%get3A_171, %get3A_172] : memref<10000x256xf32, #tpu.memory_space<vmem>>, vector<1000x256xf32>
      %mul3A_174 = vector.broadcast %mul3A_155 : vector<1x256xf32> to vector<1000x256xf32>
      %mul3A_175 = arith.mulf %get3A_173, %mul3A_174 : vector<1000x256xf32>
      %add3A_176 = vector.broadcast %sub3A_160 : vector<1x256xf32> to vector<1000x256xf32>
      %add3A_177 = arith.addf %mul3A_175, %add3A_176 : vector<1000x256xf32>
      %swap3A_178 = arith.constant 1000 : index
      %swap3A_179 = arith.constant 0 : index
      %swap3A_180 = vector.load %arg8[%swap3A_178, %swap3A_179] : memref<10000x256xf32, #tpu.memory_space<vmem>>, vector<1000x256xf32>
      tpu.vector_store %arg8[%swap3A_178, %swap3A_179], %add3A_177 {strides = array<i32>} : memref<10000x256xf32, #tpu.memory_space<vmem>>, vector<1000x256xf32>,
      %get3A_181 = arith.constant 2000 : index
      %get3A_182 = arith.constant 0 : index
      %get3A_183 = vector.load %arg8[%get3A_181, %get3A_182] : memref<10000x256xf32, #tpu.memory_space<vmem>>, vector<1000x256xf32>
      %mul3A_184 = vector.broadcast %mul3A_155 : vector<1x256xf32> to vector<1000x256xf32>
      %mul3A_185 = arith.mulf %get3A_183, %mul3A_184 : vector<1000x256xf32>
      %add3A_186 = vector.broadcast %sub3A_160 : vector<1x256xf32> to vector<1000x256xf32>
      %add3A_187 = arith.addf %mul3A_185, %add3A_186 : vector<1000x256xf32>
      %swap3A_188 = arith.constant 2000 : index
      %swap3A_189 = arith.constant 0 : index
      %swap3A_190 = vector.load %arg8[%swap3A_188, %swap3A_189] : memref<10000x256xf32, #tpu.memory_space<vmem>>, vector<1000x256xf32>
      tpu.vector_store %arg8[%swap3A_188, %swap3A_189], %add3A_187 {strides = array<i32>} : memref<10000x256xf32, #tpu.memory_space<vmem>>, vector<1000x256xf32>,
      %get3A_191 = arith.constant 3000 : index
      %get3A_192 = arith.constant 0 : index
      %get3A_193 = vector.load %arg8[%get3A_191, %get3A_192] : memref<10000x256xf32, #tpu.memory_space<vmem>>, vector<1000x256xf32>
      %mul3A_194 = vector.broadcast %mul3A_155 : vector<1x256xf32> to vector<1000x256xf32>
      %mul3A_195 = arith.mulf %get3A_193, %mul3A_194 : vector<1000x256xf32>
      %add3A_196 = vector.broadcast %sub3A_160 : vector<1x256xf32> to vector<1000x256xf32>
      %add3A_197 = arith.addf %mul3A_195, %add3A_196 : vector<1000x256xf32>
      %swap3A_198 = arith.constant 3000 : index
      %swap3A_199 = arith.constant 0 : index
      %swap3A_200 = vector.load %arg8[%swap3A_198, %swap3A_199] : memref<10000x256xf32, #tpu.memory_space<vmem>>, vector<1000x256xf32>
      tpu.vector_store %arg8[%swap3A_198, %swap3A_199], %add3A_197 {strides = array<i32>} : memref<10000x256xf32, #tpu.memory_space<vmem>>, vector<1000x256xf32>,
      %get3A_201 = arith.constant 4000 : index
      %get3A_202 = arith.constant 0 : index
      %get3A_203 = vector.load %arg8[%get3A_201, %get3A_202] : memref<10000x256xf32, #tpu.memory_space<vmem>>, vector<1000x256xf32>
      %mul3A_204 = vector.broadcast %mul3A_155 : vector<1x256xf32> to vector<1000x256xf32>
      %mul3A_205 = arith.mulf %get3A_203, %mul3A_204 : vector<1000x256xf32>
      %add3A_206 = vector.broadcast %sub3A_160 : vector<1x256xf32> to vector<1000x256xf32>
      %add3A_207 = arith.addf %mul3A_205, %add3A_206 : vector<1000x256xf32>
      %swap3A_208 = arith.constant 4000 : index
      %swap3A_209 = arith.constant 0 : index
      %swap3A_210 = vector.load %arg8[%swap3A_208, %swap3A_209] : memref<10000x256xf32, #tpu.memory_space<vmem>>, vector<1000x256xf32>
      tpu.vector_store %arg8[%swap3A_208, %swap3A_209], %add3A_207 {strides = array<i32>} : memref<10000x256xf32, #tpu.memory_space<vmem>>, vector<1000x256xf32>,
      %get3A_211 = arith.constant 5000 : index
      %get3A_212 = arith.constant 0 : index
      %get3A_213 = vector.load %arg8[%get3A_211, %get3A_212] : memref<10000x256xf32, #tpu.memory_space<vmem>>, vector<1000x256xf32>
      %mul3A_214 = vector.broadcast %mul3A_155 : vector<1x256xf32> to vector<1000x256xf32>
      %mul3A_215 = arith.mulf %get3A_213, %mul3A_214 : vector<1000x256xf32>
      %add3A_216 = vector.broadcast %sub3A_160 : vector<1x256xf32> to vector<1000x256xf32>
      %add3A_217 = arith.addf %mul3A_215, %add3A_216 : vector<1000x256xf32>
      %swap3A_218 = arith.constant 5000 : index
      %swap3A_219 = arith.constant 0 : index
      %swap3A_220 = vector.load %arg8[%swap3A_218, %swap3A_219] : memref<10000x256xf32, #tpu.memory_space<vmem>>, vector<1000x256xf32>
      tpu.vector_store %arg8[%swap3A_218, %swap3A_219], %add3A_217 {strides = array<i32>} : memref<10000x256xf32, #tpu.memory_space<vmem>>, vector<1000x256xf32>,
      %get3A_221 = arith.constant 6000 : index
      %get3A_222 = arith.constant 0 : index
      %get3A_223 = vector.load %arg8[%get3A_221, %get3A_222] : memref<10000x256xf32, #tpu.memory_space<vmem>>, vector<1000x256xf32>
      %mul3A_224 = vector.broadcast %mul3A_155 : vector<1x256xf32> to vector<1000x256xf32>
      %mul3A_225 = arith.mulf %get3A_223, %mul3A_224 : vector<1000x256xf32>
      %add3A_226 = vector.broadcast %sub3A_160 : vector<1x256xf32> to vector<1000x256xf32>
      %add3A_227 = arith.addf %mul3A_225, %add3A_226 : vector<1000x256xf32>
      %swap3A_228 = arith.constant 6000 : index
      %swap3A_229 = arith.constant 0 : index
      %swap3A_230 = vector.load %arg8[%swap3A_228, %swap3A_229] : memref<10000x256xf32, #tpu.memory_space<vmem>>, vector<1000x256xf32>
      tpu.vector_store %arg8[%swap3A_228, %swap3A_229], %add3A_227 {strides = array<i32>} : memref<10000x256xf32, #tpu.memory_space<vmem>>, vector<1000x256xf32>,
      %get3A_231 = arith.constant 7000 : index
      %get3A_232 = arith.constant 0 : index
      %get3A_233 = vector.load %arg8[%get3A_231, %get3A_232] : memref<10000x256xf32, #tpu.memory_space<vmem>>, vector<1000x256xf32>
      %mul3A_234 = vector.broadcast %mul3A_155 : vector<1x256xf32> to vector<1000x256xf32>
      %mul3A_235 = arith.mulf %get3A_233, %mul3A_234 : vector<1000x256xf32>
      %add3A_236 = vector.broadcast %sub3A_160 : vector<1x256xf32> to vector<1000x256xf32>
      %add3A_237 = arith.addf %mul3A_235, %add3A_236 : vector<1000x256xf32>
      %swap3A_238 = arith.constant 7000 : index
      %swap3A_239 = arith.constant 0 : index
      %swap3A_240 = vector.load %arg8[%swap3A_238, %swap3A_239] : memref<10000x256xf32, #tpu.memory_space<vmem>>, vector<1000x256xf32>
      tpu.vector_store %arg8[%swap3A_238, %swap3A_239], %add3A_237 {strides = array<i32>} : memref<10000x256xf32, #tpu.memory_space<vmem>>, vector<1000x256xf32>,
      %get3A_241 = arith.constant 8000 : index
      %get3A_242 = arith.constant 0 : index
      %get3A_243 = vector.load %arg8[%get3A_241, %get3A_242] : memref<10000x256xf32, #tpu.memory_space<vmem>>, vector<1000x256xf32>
      %mul3A_244 = vector.broadcast %mul3A_155 : vector<1x256xf32> to vector<1000x256xf32>
      %mul3A_245 = arith.mulf %get3A_243, %mul3A_244 : vector<1000x256xf32>
      %add3A_246 = vector.broadcast %sub3A_160 : vector<1x256xf32> to vector<1000x256xf32>
      %add3A_247 = arith.addf %mul3A_245, %add3A_246 : vector<1000x256xf32>
      %swap3A_248 = arith.constant 8000 : index
      %swap3A_249 = arith.constant 0 : index
      %swap3A_250 = vector.load %arg8[%swap3A_248, %swap3A_249] : memref<10000x256xf32, #tpu.memory_space<vmem>>, vector<1000x256xf32>
      tpu.vector_store %arg8[%swap3A_248, %swap3A_249], %add3A_247 {strides = array<i32>} : memref<10000x256xf32, #tpu.memory_space<vmem>>, vector<1000x256xf32>,
      %get3A_251 = arith.constant 9000 : index
      %get3A_252 = arith.constant 0 : index
      %get3A_253 = vector.load %arg8[%get3A_251, %get3A_252] : memref<10000x256xf32, #tpu.memory_space<vmem>>, vector<1000x256xf32>
      %mul3A_254 = vector.broadcast %mul3A_155 : vector<1x256xf32> to vector<1000x256xf32>
      %mul3A_255 = arith.mulf %get3A_253, %mul3A_254 : vector<1000x256xf32>
      %add3A_256 = vector.broadcast %sub3A_160 : vector<1x256xf32> to vector<1000x256xf32>
      %add3A_257 = arith.addf %mul3A_255, %add3A_256 : vector<1000x256xf32>
      %swap3A_258 = arith.constant 9000 : index
      %swap3A_259 = arith.constant 0 : index
      %swap3A_260 = vector.load %arg8[%swap3A_258, %swap3A_259] : memref<10000x256xf32, #tpu.memory_space<vmem>>, vector<1000x256xf32>
      tpu.vector_store %arg8[%swap3A_258, %swap3A_259], %add3A_257 {strides = array<i32>} : memref<10000x256xf32, #tpu.memory_space<vmem>>, vector<1000x256xf32>,
    } else {
    }
    return
  }
  func.func @transform_0(%arg0: i32) -> (i32, i32) {
    %c0_i32 = arith.constant 0 : i32
    %c0_i32_0 = arith.constant 0 : i32
    return %arg0, %c0_i32 : i32, i32
  }
  func.func @transform_1(%arg0: i32) -> (i32, i32) {
    %c0_i32 = arith.constant 0 : i32
    %c0_i32_0 = arith.constant 0 : i32
    %c0_i32_1 = arith.constant 0 : i32
    return %c0_i32, %c0_i32_0 : i32, i32
  }
  func.func @transform_2(%arg0: i32) -> (i32, i32) {
    %c0_i32 = arith.constant 0 : i32
    %c0_i32_0 = arith.constant 0 : i32
    %c0_i32_1 = arith.constant 0 : i32
    return %c0_i32, %c0_i32_0 : i32, i32
  }
  func.func @transform_3(%arg0: i32) -> (i32, i32) {
    %c0_i32 = arith.constant 0 : i32
    %c0_i32_0 = arith.constant 0 : i32
    %c0_i32_1 = arith.constant 0 : i32
    return %c0_i32, %c0_i32_0 : i32, i32
  }
  func.func @transform_4(%arg0: i32) -> (i32, i32) {
    %c0_i32 = arith.constant 0 : i32
    %c0_i32_0 = arith.constant 0 : i32
    %c0_i32_1 = arith.constant 0 : i32
    return %c0_i32, %c0_i32_0 : i32, i32
  }
  func.func @transform_5(%arg0: i32) -> (i32, i32) {
    %c0_i32 = arith.constant 0 : i32
    %c0_i32_0 = arith.constant 0 : i32
    %c0_i32_1 = arith.constant 0 : i32
    return %c0_i32, %c0_i32_0 : i32, i32
  }
  func.func @transform_6(%arg0: i32) -> (i32, i32) {
    %c0_i32 = arith.constant 0 : i32
    %c0_i32_0 = arith.constant 0 : i32
    %c0_i32_1 = arith.constant 0 : i32
    return %c0_i32, %c0_i32_0 : i32, i32
  }
  func.func @transform_7(%arg0: i32) -> (i32, i32) {
    %c0_i32 = arith.constant 0 : i32
    %c0_i32_0 = arith.constant 0 : i32
    %c0_i32_1 = arith.constant 0 : i32
    return %c0_i32, %c0_i32_0 : i32, i32
  }
}

module attributes {stable_mosaic.version = 14 : i64} {
  func.func @_final_body(%arg0: i32, %arg1: memref<1000x256xf32, #tpu.memory_space<vmem>>, %arg2: memref<256x256xf32, #tpu.memory_space<vmem>>, %arg3: memref<1x256xf32, #tpu.memory_space<vmem>>, %arg4: memref<256x256xf32, #tpu.memory_space<vmem>>, %arg5: memref<1x256xf32, #tpu.memory_space<vmem>>, %arg6: memref<1x256xf32, #tpu.memory_space<vmem>>, %arg7: memref<1x256xf32, #tpu.memory_space<vmem>>, %arg8: memref<10x1000xi32, #tpu.memory_space<vmem>>, %arg9: memref<256x256xf32, #tpu.memory_space<vmem>>, %arg10: memref<1x256xf32, #tpu.memory_space<vmem>>, %arg11: memref<256x128xf32, #tpu.memory_space<vmem>>, %arg12: memref<1x128xf32, #tpu.memory_space<vmem>>, %arg13: memref<64x128xf32, #tpu.memory_space<vmem>>, %arg14: memref<10000x256xf32, #tpu.memory_space<vmem>>, %arg15: memref<1x256xf32, #tpu.memory_space<vmem>>) attributes {dimension_semantics = [#tpu.dimension_semantics<arbitrary>], iteration_bounds = array<i64: 10>, scalar_prefetch = 0 : i64, scratch_operands = 2 : i64, tpu.core_type = #tpu.core_type<tc>, window_params = [{transform_indices = @transform_0, window_bounds = array<i64: 1000, 256>}, {pipeline_mode = #tpu.pipeline_mode<synchronous>, transform_indices = @transform_1, window_bounds = array<i64: 256, 256>}, {pipeline_mode = #tpu.pipeline_mode<synchronous>, transform_indices = @transform_2, window_bounds = array<i64: 1, 256>}, {pipeline_mode = #tpu.pipeline_mode<synchronous>, transform_indices = @transform_3, window_bounds = array<i64: 256, 256>}, {pipeline_mode = #tpu.pipeline_mode<synchronous>, transform_indices = @transform_4, window_bounds = array<i64: 1, 256>}, {pipeline_mode = #tpu.pipeline_mode<synchronous>, transform_indices = @transform_5, window_bounds = array<i64: 1, 256>}, {pipeline_mode = #tpu.pipeline_mode<synchronous>, transform_indices = @transform_6, window_bounds = array<i64: 1, 256>}, {pipeline_mode = #tpu.pipeline_mode<synchronous>, transform_indices = @transform_7, window_bounds = array<i64: 10, 1000>}, {pipeline_mode = #tpu.pipeline_mode<synchronous>, transform_indices = @transform_8, window_bounds = array<i64: 256, 256>}, {pipeline_mode = #tpu.pipeline_mode<synchronous>, transform_indices = @transform_9, window_bounds = array<i64: 1, 256>}, {pipeline_mode = #tpu.pipeline_mode<synchronous>, transform_indices = @transform_10, window_bounds = array<i64: 256, 128>}, {pipeline_mode = #tpu.pipeline_mode<synchronous>, transform_indices = @transform_11, window_bounds = array<i64: 1, 128>}, {pipeline_mode = #tpu.pipeline_mode<synchronous>, transform_indices = @transform_12, window_bounds = array<i64: 64, 128>}]} {
    %get3A = arith.constant 0 : index
    %get3A_0 = arith.constant 0 : index
    %get3A_1 = vector.load %arg1[%get3A, %get3A_0] : memref<1000x256xf32, #tpu.memory_space<vmem>>, vector<1000x256xf32>
    %get3A_2 = arith.constant 0 : index
    %get3A_3 = arith.constant 0 : index
    %get3A_4 = vector.load %arg2[%get3A_2, %get3A_3] : memref<256x256xf32, #tpu.memory_space<vmem>>, vector<256x256xf32>
    %dot_general3A = arith.constant dense<0.000000e+00> : vector<1000x256xf32>
    %dot_general3A_5 = tpu.matmul %get3A_1, %get3A_4, %dot_general3A {dimension_numbers = #tpu.dot_dimension_numbers<[1], [0], [0], [1], [0, 0, 1, 1], [], []>, transpose_lhs_hint = false} : vector<1000x256xf32>, vector<256x256xf32>, vector<1000x256xf32> -> vector<1000x256xf32>
    %get3A_6 = arith.constant 0 : index
    %get3A_7 = arith.constant 0 : index
    %get3A_8 = vector.load %arg3[%get3A_6, %get3A_7] : memref<1x256xf32, #tpu.memory_space<vmem>>, vector<1x256xf32>
    %add3A = vector.broadcast %get3A_8 : vector<1x256xf32> to vector<1000x256xf32>
    %add3A_9 = arith.addf %dot_general3A_5, %add3A : vector<1000x256xf32>
    %max3A = arith.constant 0.000000e+00 : f32
    %max3A_10 = vector.broadcast %max3A : f32 to vector<1000x256xf32>
    %max3A_11 = arith.maximumf %add3A_9, %max3A_10 : vector<1000x256xf32>
    %get3A_12 = arith.constant 0 : index
    %get3A_13 = arith.constant 0 : index
    %get3A_14 = vector.load %arg4[%get3A_12, %get3A_13] : memref<256x256xf32, #tpu.memory_space<vmem>>, vector<256x256xf32>
    %dot_general3A_15 = arith.constant dense<0.000000e+00> : vector<1000x256xf32>
    %dot_general3A_16 = tpu.matmul %max3A_11, %get3A_14, %dot_general3A_15 {dimension_numbers = #tpu.dot_dimension_numbers<[1], [0], [0], [1], [0, 0, 1, 1], [], []>, transpose_lhs_hint = false} : vector<1000x256xf32>, vector<256x256xf32>, vector<1000x256xf32> -> vector<1000x256xf32>
    %get3A_17 = arith.constant 0 : index
    %get3A_18 = arith.constant 0 : index
    %get3A_19 = vector.load %arg5[%get3A_17, %get3A_18] : memref<1x256xf32, #tpu.memory_space<vmem>>, vector<1x256xf32>
    %add3A_20 = vector.broadcast %get3A_19 : vector<1x256xf32> to vector<1000x256xf32>
    %add3A_21 = arith.addf %dot_general3A_16, %add3A_20 : vector<1000x256xf32>
    %max3A_22 = arith.constant 0.000000e+00 : f32
    %max3A_23 = vector.broadcast %max3A_22 : f32 to vector<1000x256xf32>
    %max3A_24 = arith.maximumf %add3A_21, %max3A_23 : vector<1000x256xf32>
    %mul3A = arith.constant 1000 : i32
    %mul3A_25 = arith.muli %arg0, %mul3A : i32
    %swap3A = arith.index_cast %mul3A_25 : i32 to index
    %swap3A_26 = arith.constant 0 : index
    %swap3A_27 = vector.load %arg14[%swap3A, %swap3A_26] : memref<10000x256xf32, #tpu.memory_space<vmem>>, vector<1000x256xf32>
    tpu.vector_store %arg14[%swap3A, %swap3A_26], %max3A_24 {strides = array<i32>} : memref<10000x256xf32, #tpu.memory_space<vmem>>, vector<1000x256xf32>,
    %reduce_sum3A = arith.constant dense<0.000000e+00> : vector<256xf32>
    %reduce_sum3A_28 = vector.multi_reduction <add>, %max3A_24, %reduce_sum3A [0] : vector<1000x256xf32> to vector<256xf32>
    %broadcast_in_dim3A = vector.shape_cast %reduce_sum3A_28 : vector<256xf32> to vector<1x256xf32>
    %eq3A = arith.constant 0 : i32
    %eq3A_29 = arith.cmpi eq, %arg0, %eq3A : i32
    %convert_element_type3A = arith.extui %eq3A_29 : i1 to i32
    %cond3A = arith.constant 0 : i32
    %cond3A_30 = arith.cmpi ne, %convert_element_type3A, %cond3A : i32
    scf.if %cond3A_30 {
      %swap3A_40 = arith.constant 0 : index
      %swap3A_41 = arith.constant 0 : index
      %swap3A_42 = vector.load %arg15[%swap3A_40, %swap3A_41] : memref<1x256xf32, #tpu.memory_space<vmem>>, vector<1x256xf32>
      tpu.vector_store %arg15[%swap3A_40, %swap3A_41], %broadcast_in_dim3A {strides = array<i32>} : memref<1x256xf32, #tpu.memory_space<vmem>>, vector<1x256xf32>,
    } else {
    }
    %gt3A = arith.constant 0 : i32
    %gt3A_31 = arith.cmpi sgt, %arg0, %gt3A : i32
    %convert_element_type3A_32 = arith.extui %gt3A_31 : i1 to i32
    %cond3A_33 = arith.constant 0 : i32
    %cond3A_34 = arith.cmpi ne, %convert_element_type3A_32, %cond3A_33 : i32
    scf.if %cond3A_34 {
      %get3A_40 = arith.constant 0 : index
      %get3A_41 = arith.constant 0 : index
      %get3A_42 = vector.load %arg15[%get3A_40, %get3A_41] : memref<1x256xf32, #tpu.memory_space<vmem>>, vector<1x256xf32>
      %add3A_43 = arith.addf %get3A_42, %broadcast_in_dim3A : vector<1x256xf32>
      %swap3A_44 = arith.constant 0 : index
      %swap3A_45 = arith.constant 0 : index
      %swap3A_46 = vector.load %arg15[%swap3A_44, %swap3A_45] : memref<1x256xf32, #tpu.memory_space<vmem>>, vector<1x256xf32>
      tpu.vector_store %arg15[%swap3A_44, %swap3A_45], %add3A_43 {strides = array<i32>} : memref<1x256xf32, #tpu.memory_space<vmem>>, vector<1x256xf32>,
    } else {
    }
    %eq3A_35 = arith.constant 9 : i32
    %eq3A_36 = arith.cmpi eq, %arg0, %eq3A_35 : i32
    %convert_element_type3A_37 = arith.extui %eq3A_36 : i1 to i32
    %cond3A_38 = arith.constant 0 : i32
    %cond3A_39 = arith.cmpi ne, %convert_element_type3A_37, %cond3A_38 : i32
    scf.if %cond3A_39 {
      %get3A_40 = arith.constant 0 : index
      %get3A_41 = arith.constant 0 : index
      %get3A_42 = vector.load %arg15[%get3A_40, %get3A_41] : memref<1x256xf32, #tpu.memory_space<vmem>>, vector<1x256xf32>
      %div3A = arith.constant 1.000000e+04 : f32
      %div3A_43 = vector.broadcast %div3A : f32 to vector<1x256xf32>
      %div3A_44 = arith.divf %get3A_42, %div3A_43 : vector<1x256xf32>
      %broadcast_in_dim3A_45 = arith.constant 0.000000e+00 : f32
      %broadcast_in_dim3A_46 = vector.broadcast %broadcast_in_dim3A_45 : f32 to vector<1x256xf32>
      %get3A_47 = arith.constant 0 : index
      %get3A_48 = arith.constant 0 : index
      %get3A_49 = vector.load %arg14[%get3A_47, %get3A_48] : memref<10000x256xf32, #tpu.memory_space<vmem>>, vector<1000x256xf32>
      %sub3A = vector.broadcast %div3A_44 : vector<1x256xf32> to vector<1000x256xf32>
      %sub3A_50 = arith.subf %get3A_49, %sub3A : vector<1000x256xf32>
      %mul3A_51 = arith.mulf %sub3A_50, %sub3A_50 : vector<1000x256xf32>
      %reduce_sum3A_52 = arith.constant dense<0.000000e+00> : vector<256xf32>
      %reduce_sum3A_53 = vector.multi_reduction <add>, %mul3A_51, %reduce_sum3A_52 [0] : vector<1000x256xf32> to vector<256xf32>
      %broadcast_in_dim3A_54 = vector.shape_cast %reduce_sum3A_53 : vector<256xf32> to vector<1x256xf32>
      %add3A_55 = arith.addf %broadcast_in_dim3A_46, %broadcast_in_dim3A_54 : vector<1x256xf32>
      %get3A_56 = arith.constant 1000 : index
      %get3A_57 = arith.constant 0 : index
      %get3A_58 = vector.load %arg14[%get3A_56, %get3A_57] : memref<10000x256xf32, #tpu.memory_space<vmem>>, vector<1000x256xf32>
      %sub3A_59 = vector.broadcast %div3A_44 : vector<1x256xf32> to vector<1000x256xf32>
      %sub3A_60 = arith.subf %get3A_58, %sub3A_59 : vector<1000x256xf32>
      %mul3A_61 = arith.mulf %sub3A_60, %sub3A_60 : vector<1000x256xf32>
      %reduce_sum3A_62 = arith.constant dense<0.000000e+00> : vector<256xf32>
      %reduce_sum3A_63 = vector.multi_reduction <add>, %mul3A_61, %reduce_sum3A_62 [0] : vector<1000x256xf32> to vector<256xf32>
      %broadcast_in_dim3A_64 = vector.shape_cast %reduce_sum3A_63 : vector<256xf32> to vector<1x256xf32>
      %add3A_65 = arith.addf %add3A_55, %broadcast_in_dim3A_64 : vector<1x256xf32>
      %get3A_66 = arith.constant 2000 : index
      %get3A_67 = arith.constant 0 : index
      %get3A_68 = vector.load %arg14[%get3A_66, %get3A_67] : memref<10000x256xf32, #tpu.memory_space<vmem>>, vector<1000x256xf32>
      %sub3A_69 = vector.broadcast %div3A_44 : vector<1x256xf32> to vector<1000x256xf32>
      %sub3A_70 = arith.subf %get3A_68, %sub3A_69 : vector<1000x256xf32>
      %mul3A_71 = arith.mulf %sub3A_70, %sub3A_70 : vector<1000x256xf32>
      %reduce_sum3A_72 = arith.constant dense<0.000000e+00> : vector<256xf32>
      %reduce_sum3A_73 = vector.multi_reduction <add>, %mul3A_71, %reduce_sum3A_72 [0] : vector<1000x256xf32> to vector<256xf32>
      %broadcast_in_dim3A_74 = vector.shape_cast %reduce_sum3A_73 : vector<256xf32> to vector<1x256xf32>
      %add3A_75 = arith.addf %add3A_65, %broadcast_in_dim3A_74 : vector<1x256xf32>
      %get3A_76 = arith.constant 3000 : index
      %get3A_77 = arith.constant 0 : index
      %get3A_78 = vector.load %arg14[%get3A_76, %get3A_77] : memref<10000x256xf32, #tpu.memory_space<vmem>>, vector<1000x256xf32>
      %sub3A_79 = vector.broadcast %div3A_44 : vector<1x256xf32> to vector<1000x256xf32>
      %sub3A_80 = arith.subf %get3A_78, %sub3A_79 : vector<1000x256xf32>
      %mul3A_81 = arith.mulf %sub3A_80, %sub3A_80 : vector<1000x256xf32>
      %reduce_sum3A_82 = arith.constant dense<0.000000e+00> : vector<256xf32>
      %reduce_sum3A_83 = vector.multi_reduction <add>, %mul3A_81, %reduce_sum3A_82 [0] : vector<1000x256xf32> to vector<256xf32>
      %broadcast_in_dim3A_84 = vector.shape_cast %reduce_sum3A_83 : vector<256xf32> to vector<1x256xf32>
      %add3A_85 = arith.addf %add3A_75, %broadcast_in_dim3A_84 : vector<1x256xf32>
      %get3A_86 = arith.constant 4000 : index
      %get3A_87 = arith.constant 0 : index
      %get3A_88 = vector.load %arg14[%get3A_86, %get3A_87] : memref<10000x256xf32, #tpu.memory_space<vmem>>, vector<1000x256xf32>
      %sub3A_89 = vector.broadcast %div3A_44 : vector<1x256xf32> to vector<1000x256xf32>
      %sub3A_90 = arith.subf %get3A_88, %sub3A_89 : vector<1000x256xf32>
      %mul3A_91 = arith.mulf %sub3A_90, %sub3A_90 : vector<1000x256xf32>
      %reduce_sum3A_92 = arith.constant dense<0.000000e+00> : vector<256xf32>
      %reduce_sum3A_93 = vector.multi_reduction <add>, %mul3A_91, %reduce_sum3A_92 [0] : vector<1000x256xf32> to vector<256xf32>
      %broadcast_in_dim3A_94 = vector.shape_cast %reduce_sum3A_93 : vector<256xf32> to vector<1x256xf32>
      %add3A_95 = arith.addf %add3A_85, %broadcast_in_dim3A_94 : vector<1x256xf32>
      %get3A_96 = arith.constant 5000 : index
      %get3A_97 = arith.constant 0 : index
      %get3A_98 = vector.load %arg14[%get3A_96, %get3A_97] : memref<10000x256xf32, #tpu.memory_space<vmem>>, vector<1000x256xf32>
      %sub3A_99 = vector.broadcast %div3A_44 : vector<1x256xf32> to vector<1000x256xf32>
      %sub3A_100 = arith.subf %get3A_98, %sub3A_99 : vector<1000x256xf32>
      %mul3A_101 = arith.mulf %sub3A_100, %sub3A_100 : vector<1000x256xf32>
      %reduce_sum3A_102 = arith.constant dense<0.000000e+00> : vector<256xf32>
      %reduce_sum3A_103 = vector.multi_reduction <add>, %mul3A_101, %reduce_sum3A_102 [0] : vector<1000x256xf32> to vector<256xf32>
      %broadcast_in_dim3A_104 = vector.shape_cast %reduce_sum3A_103 : vector<256xf32> to vector<1x256xf32>
      %add3A_105 = arith.addf %add3A_95, %broadcast_in_dim3A_104 : vector<1x256xf32>
      %get3A_106 = arith.constant 6000 : index
      %get3A_107 = arith.constant 0 : index
      %get3A_108 = vector.load %arg14[%get3A_106, %get3A_107] : memref<10000x256xf32, #tpu.memory_space<vmem>>, vector<1000x256xf32>
      %sub3A_109 = vector.broadcast %div3A_44 : vector<1x256xf32> to vector<1000x256xf32>
      %sub3A_110 = arith.subf %get3A_108, %sub3A_109 : vector<1000x256xf32>
      %mul3A_111 = arith.mulf %sub3A_110, %sub3A_110 : vector<1000x256xf32>
      %reduce_sum3A_112 = arith.constant dense<0.000000e+00> : vector<256xf32>
      %reduce_sum3A_113 = vector.multi_reduction <add>, %mul3A_111, %reduce_sum3A_112 [0] : vector<1000x256xf32> to vector<256xf32>
      %broadcast_in_dim3A_114 = vector.shape_cast %reduce_sum3A_113 : vector<256xf32> to vector<1x256xf32>
      %add3A_115 = arith.addf %add3A_105, %broadcast_in_dim3A_114 : vector<1x256xf32>
      %get3A_116 = arith.constant 7000 : index
      %get3A_117 = arith.constant 0 : index
      %get3A_118 = vector.load %arg14[%get3A_116, %get3A_117] : memref<10000x256xf32, #tpu.memory_space<vmem>>, vector<1000x256xf32>
      %sub3A_119 = vector.broadcast %div3A_44 : vector<1x256xf32> to vector<1000x256xf32>
      %sub3A_120 = arith.subf %get3A_118, %sub3A_119 : vector<1000x256xf32>
      %mul3A_121 = arith.mulf %sub3A_120, %sub3A_120 : vector<1000x256xf32>
      %reduce_sum3A_122 = arith.constant dense<0.000000e+00> : vector<256xf32>
      %reduce_sum3A_123 = vector.multi_reduction <add>, %mul3A_121, %reduce_sum3A_122 [0] : vector<1000x256xf32> to vector<256xf32>
      %broadcast_in_dim3A_124 = vector.shape_cast %reduce_sum3A_123 : vector<256xf32> to vector<1x256xf32>
      %add3A_125 = arith.addf %add3A_115, %broadcast_in_dim3A_124 : vector<1x256xf32>
      %get3A_126 = arith.constant 8000 : index
      %get3A_127 = arith.constant 0 : index
      %get3A_128 = vector.load %arg14[%get3A_126, %get3A_127] : memref<10000x256xf32, #tpu.memory_space<vmem>>, vector<1000x256xf32>
      %sub3A_129 = vector.broadcast %div3A_44 : vector<1x256xf32> to vector<1000x256xf32>
      %sub3A_130 = arith.subf %get3A_128, %sub3A_129 : vector<1000x256xf32>
      %mul3A_131 = arith.mulf %sub3A_130, %sub3A_130 : vector<1000x256xf32>
      %reduce_sum3A_132 = arith.constant dense<0.000000e+00> : vector<256xf32>
      %reduce_sum3A_133 = vector.multi_reduction <add>, %mul3A_131, %reduce_sum3A_132 [0] : vector<1000x256xf32> to vector<256xf32>
      %broadcast_in_dim3A_134 = vector.shape_cast %reduce_sum3A_133 : vector<256xf32> to vector<1x256xf32>
      %add3A_135 = arith.addf %add3A_125, %broadcast_in_dim3A_134 : vector<1x256xf32>
      %get3A_136 = arith.constant 9000 : index
      %get3A_137 = arith.constant 0 : index
      %get3A_138 = vector.load %arg14[%get3A_136, %get3A_137] : memref<10000x256xf32, #tpu.memory_space<vmem>>, vector<1000x256xf32>
      %sub3A_139 = vector.broadcast %div3A_44 : vector<1x256xf32> to vector<1000x256xf32>
      %sub3A_140 = arith.subf %get3A_138, %sub3A_139 : vector<1000x256xf32>
      %mul3A_141 = arith.mulf %sub3A_140, %sub3A_140 : vector<1000x256xf32>
      %reduce_sum3A_142 = arith.constant dense<0.000000e+00> : vector<256xf32>
      %reduce_sum3A_143 = vector.multi_reduction <add>, %mul3A_141, %reduce_sum3A_142 [0] : vector<1000x256xf32> to vector<256xf32>
      %broadcast_in_dim3A_144 = vector.shape_cast %reduce_sum3A_143 : vector<256xf32> to vector<1x256xf32>
      %add3A_145 = arith.addf %add3A_135, %broadcast_in_dim3A_144 : vector<1x256xf32>
      %div3A_146 = arith.constant 1.000000e+04 : f32
      %div3A_147 = vector.broadcast %div3A_146 : f32 to vector<1x256xf32>
      %div3A_148 = arith.divf %add3A_145, %div3A_147 : vector<1x256xf32>
      %add3A_149 = arith.constant 9.99999974E-6 : f32
      %add3A_150 = vector.broadcast %add3A_149 : f32 to vector<1x256xf32>
      %add3A_151 = arith.addf %div3A_148, %add3A_150 : vector<1x256xf32>
      %rsqrt3A = math.rsqrt %add3A_151 : vector<1x256xf32>
      %get3A_152 = arith.constant 0 : index
      %get3A_153 = arith.constant 0 : index
      %get3A_154 = vector.load %arg6[%get3A_152, %get3A_153] : memref<1x256xf32, #tpu.memory_space<vmem>>, vector<1x256xf32>
      %mul3A_155 = arith.mulf %rsqrt3A, %get3A_154 : vector<1x256xf32>
      %get3A_156 = arith.constant 0 : index
      %get3A_157 = arith.constant 0 : index
      %get3A_158 = vector.load %arg7[%get3A_156, %get3A_157] : memref<1x256xf32, #tpu.memory_space<vmem>>, vector<1x256xf32>
      %mul3A_159 = arith.mulf %div3A_44, %mul3A_155 : vector<1x256xf32>
      %sub3A_160 = arith.subf %get3A_158, %mul3A_159 : vector<1x256xf32>
      %broadcast_in_dim3A_161 = arith.constant 0.000000e+00 : f32
      %broadcast_in_dim3A_162 = vector.broadcast %broadcast_in_dim3A_161 : f32 to vector<64x256xf32>
      %get3A_163 = arith.constant 0 : index
      %get3A_164 = arith.constant 0 : index
      %get3A_165 = vector.load %arg14[%get3A_163, %get3A_164] : memref<10000x256xf32, #tpu.memory_space<vmem>>, vector<1000x256xf32>
      %mul3A_166 = vector.broadcast %mul3A_155 : vector<1x256xf32> to vector<1000x256xf32>
      %mul3A_167 = arith.mulf %get3A_165, %mul3A_166 : vector<1000x256xf32>
      %add3A_168 = vector.broadcast %sub3A_160 : vector<1x256xf32> to vector<1000x256xf32>
      %add3A_169 = arith.addf %mul3A_167, %add3A_168 : vector<1000x256xf32>
      %get3A_170 = arith.constant 0 : index
      %get3A_171 = arith.constant 0 : index
      %get3A_172 = vector.load %arg8[%get3A_170, %get3A_171] : memref<10x1000xi32, #tpu.memory_space<vmem>>, vector<1x1000xi32>
      %iota3A = tpu.iota {dimensions = array<i32: 0>} : vector<64x1000xi32>
      %eq3A_173 = vector.broadcast %get3A_172 : vector<1x1000xi32> to vector<64x1000xi32>
      %eq3A_174 = arith.cmpi eq, %iota3A, %eq3A_173 : vector<64x1000xi32>
      %convert_element_type3A_175 = arith.extui %eq3A_174 : vector<64x1000xi1> to vector<64x1000xi32>
      %convert_element_type3A_176 = arith.sitofp %convert_element_type3A_175 : vector<64x1000xi32> to vector<64x1000xf32>
      %dot_general3A_177 = arith.constant dense<0.000000e+00> : vector<64x256xf32>
      %dot_general3A_178 = tpu.matmul %convert_element_type3A_176, %add3A_169, %dot_general3A_177 {dimension_numbers = #tpu.dot_dimension_numbers<[1], [0], [0], [1], [0, 0, 1, 1], [], []>, transpose_lhs_hint = false} : vector<64x1000xf32>, vector<1000x256xf32>, vector<64x256xf32> -> vector<64x256xf32>
      %add3A_179 = arith.addf %broadcast_in_dim3A_162, %dot_general3A_178 : vector<64x256xf32>
      %get3A_180 = arith.constant 1000 : index
      %get3A_181 = arith.constant 0 : index
      %get3A_182 = vector.load %arg14[%get3A_180, %get3A_181] : memref<10000x256xf32, #tpu.memory_space<vmem>>, vector<1000x256xf32>
      %mul3A_183 = vector.broadcast %mul3A_155 : vector<1x256xf32> to vector<1000x256xf32>
      %mul3A_184 = arith.mulf %get3A_182, %mul3A_183 : vector<1000x256xf32>
      %add3A_185 = vector.broadcast %sub3A_160 : vector<1x256xf32> to vector<1000x256xf32>
      %add3A_186 = arith.addf %mul3A_184, %add3A_185 : vector<1000x256xf32>
      %get3A_187 = arith.constant 1 : index
      %get3A_188 = arith.constant 0 : index
      %get3A_189 = vector.load %arg8[%get3A_187, %get3A_188] : memref<10x1000xi32, #tpu.memory_space<vmem>>, vector<1x1000xi32>
      %iota3A_190 = tpu.iota {dimensions = array<i32: 0>} : vector<64x1000xi32>
      %eq3A_191 = vector.broadcast %get3A_189 : vector<1x1000xi32> to vector<64x1000xi32>
      %eq3A_192 = arith.cmpi eq, %iota3A_190, %eq3A_191 : vector<64x1000xi32>
      %convert_element_type3A_193 = arith.extui %eq3A_192 : vector<64x1000xi1> to vector<64x1000xi32>
      %convert_element_type3A_194 = arith.sitofp %convert_element_type3A_193 : vector<64x1000xi32> to vector<64x1000xf32>
      %dot_general3A_195 = arith.constant dense<0.000000e+00> : vector<64x256xf32>
      %dot_general3A_196 = tpu.matmul %convert_element_type3A_194, %add3A_186, %dot_general3A_195 {dimension_numbers = #tpu.dot_dimension_numbers<[1], [0], [0], [1], [0, 0, 1, 1], [], []>, transpose_lhs_hint = false} : vector<64x1000xf32>, vector<1000x256xf32>, vector<64x256xf32> -> vector<64x256xf32>
      %add3A_197 = arith.addf %add3A_179, %dot_general3A_196 : vector<64x256xf32>
      %get3A_198 = arith.constant 2000 : index
      %get3A_199 = arith.constant 0 : index
      %get3A_200 = vector.load %arg14[%get3A_198, %get3A_199] : memref<10000x256xf32, #tpu.memory_space<vmem>>, vector<1000x256xf32>
      %mul3A_201 = vector.broadcast %mul3A_155 : vector<1x256xf32> to vector<1000x256xf32>
      %mul3A_202 = arith.mulf %get3A_200, %mul3A_201 : vector<1000x256xf32>
      %add3A_203 = vector.broadcast %sub3A_160 : vector<1x256xf32> to vector<1000x256xf32>
      %add3A_204 = arith.addf %mul3A_202, %add3A_203 : vector<1000x256xf32>
      %get3A_205 = arith.constant 2 : index
      %get3A_206 = arith.constant 0 : index
      %get3A_207 = vector.load %arg8[%get3A_205, %get3A_206] : memref<10x1000xi32, #tpu.memory_space<vmem>>, vector<1x1000xi32>
      %iota3A_208 = tpu.iota {dimensions = array<i32: 0>} : vector<64x1000xi32>
      %eq3A_209 = vector.broadcast %get3A_207 : vector<1x1000xi32> to vector<64x1000xi32>
      %eq3A_210 = arith.cmpi eq, %iota3A_208, %eq3A_209 : vector<64x1000xi32>
      %convert_element_type3A_211 = arith.extui %eq3A_210 : vector<64x1000xi1> to vector<64x1000xi32>
      %convert_element_type3A_212 = arith.sitofp %convert_element_type3A_211 : vector<64x1000xi32> to vector<64x1000xf32>
      %dot_general3A_213 = arith.constant dense<0.000000e+00> : vector<64x256xf32>
      %dot_general3A_214 = tpu.matmul %convert_element_type3A_212, %add3A_204, %dot_general3A_213 {dimension_numbers = #tpu.dot_dimension_numbers<[1], [0], [0], [1], [0, 0, 1, 1], [], []>, transpose_lhs_hint = false} : vector<64x1000xf32>, vector<1000x256xf32>, vector<64x256xf32> -> vector<64x256xf32>
      %add3A_215 = arith.addf %add3A_197, %dot_general3A_214 : vector<64x256xf32>
      %get3A_216 = arith.constant 3000 : index
      %get3A_217 = arith.constant 0 : index
      %get3A_218 = vector.load %arg14[%get3A_216, %get3A_217] : memref<10000x256xf32, #tpu.memory_space<vmem>>, vector<1000x256xf32>
      %mul3A_219 = vector.broadcast %mul3A_155 : vector<1x256xf32> to vector<1000x256xf32>
      %mul3A_220 = arith.mulf %get3A_218, %mul3A_219 : vector<1000x256xf32>
      %add3A_221 = vector.broadcast %sub3A_160 : vector<1x256xf32> to vector<1000x256xf32>
      %add3A_222 = arith.addf %mul3A_220, %add3A_221 : vector<1000x256xf32>
      %get3A_223 = arith.constant 3 : index
      %get3A_224 = arith.constant 0 : index
      %get3A_225 = vector.load %arg8[%get3A_223, %get3A_224] : memref<10x1000xi32, #tpu.memory_space<vmem>>, vector<1x1000xi32>
      %iota3A_226 = tpu.iota {dimensions = array<i32: 0>} : vector<64x1000xi32>
      %eq3A_227 = vector.broadcast %get3A_225 : vector<1x1000xi32> to vector<64x1000xi32>
      %eq3A_228 = arith.cmpi eq, %iota3A_226, %eq3A_227 : vector<64x1000xi32>
      %convert_element_type3A_229 = arith.extui %eq3A_228 : vector<64x1000xi1> to vector<64x1000xi32>
      %convert_element_type3A_230 = arith.sitofp %convert_element_type3A_229 : vector<64x1000xi32> to vector<64x1000xf32>
      %dot_general3A_231 = arith.constant dense<0.000000e+00> : vector<64x256xf32>
      %dot_general3A_232 = tpu.matmul %convert_element_type3A_230, %add3A_222, %dot_general3A_231 {dimension_numbers = #tpu.dot_dimension_numbers<[1], [0], [0], [1], [0, 0, 1, 1], [], []>, transpose_lhs_hint = false} : vector<64x1000xf32>, vector<1000x256xf32>, vector<64x256xf32> -> vector<64x256xf32>
      %add3A_233 = arith.addf %add3A_215, %dot_general3A_232 : vector<64x256xf32>
      %get3A_234 = arith.constant 4000 : index
      %get3A_235 = arith.constant 0 : index
      %get3A_236 = vector.load %arg14[%get3A_234, %get3A_235] : memref<10000x256xf32, #tpu.memory_space<vmem>>, vector<1000x256xf32>
      %mul3A_237 = vector.broadcast %mul3A_155 : vector<1x256xf32> to vector<1000x256xf32>
      %mul3A_238 = arith.mulf %get3A_236, %mul3A_237 : vector<1000x256xf32>
      %add3A_239 = vector.broadcast %sub3A_160 : vector<1x256xf32> to vector<1000x256xf32>
      %add3A_240 = arith.addf %mul3A_238, %add3A_239 : vector<1000x256xf32>
      %get3A_241 = arith.constant 4 : index
      %get3A_242 = arith.constant 0 : index
      %get3A_243 = vector.load %arg8[%get3A_241, %get3A_242] : memref<10x1000xi32, #tpu.memory_space<vmem>>, vector<1x1000xi32>
      %iota3A_244 = tpu.iota {dimensions = array<i32: 0>} : vector<64x1000xi32>
      %eq3A_245 = vector.broadcast %get3A_243 : vector<1x1000xi32> to vector<64x1000xi32>
      %eq3A_246 = arith.cmpi eq, %iota3A_244, %eq3A_245 : vector<64x1000xi32>
      %convert_element_type3A_247 = arith.extui %eq3A_246 : vector<64x1000xi1> to vector<64x1000xi32>
      %convert_element_type3A_248 = arith.sitofp %convert_element_type3A_247 : vector<64x1000xi32> to vector<64x1000xf32>
      %dot_general3A_249 = arith.constant dense<0.000000e+00> : vector<64x256xf32>
      %dot_general3A_250 = tpu.matmul %convert_element_type3A_248, %add3A_240, %dot_general3A_249 {dimension_numbers = #tpu.dot_dimension_numbers<[1], [0], [0], [1], [0, 0, 1, 1], [], []>, transpose_lhs_hint = false} : vector<64x1000xf32>, vector<1000x256xf32>, vector<64x256xf32> -> vector<64x256xf32>
      %add3A_251 = arith.addf %add3A_233, %dot_general3A_250 : vector<64x256xf32>
      %get3A_252 = arith.constant 5000 : index
      %get3A_253 = arith.constant 0 : index
      %get3A_254 = vector.load %arg14[%get3A_252, %get3A_253] : memref<10000x256xf32, #tpu.memory_space<vmem>>, vector<1000x256xf32>
      %mul3A_255 = vector.broadcast %mul3A_155 : vector<1x256xf32> to vector<1000x256xf32>
      %mul3A_256 = arith.mulf %get3A_254, %mul3A_255 : vector<1000x256xf32>
      %add3A_257 = vector.broadcast %sub3A_160 : vector<1x256xf32> to vector<1000x256xf32>
      %add3A_258 = arith.addf %mul3A_256, %add3A_257 : vector<1000x256xf32>
      %get3A_259 = arith.constant 5 : index
      %get3A_260 = arith.constant 0 : index
      %get3A_261 = vector.load %arg8[%get3A_259, %get3A_260] : memref<10x1000xi32, #tpu.memory_space<vmem>>, vector<1x1000xi32>
      %iota3A_262 = tpu.iota {dimensions = array<i32: 0>} : vector<64x1000xi32>
      %eq3A_263 = vector.broadcast %get3A_261 : vector<1x1000xi32> to vector<64x1000xi32>
      %eq3A_264 = arith.cmpi eq, %iota3A_262, %eq3A_263 : vector<64x1000xi32>
      %convert_element_type3A_265 = arith.extui %eq3A_264 : vector<64x1000xi1> to vector<64x1000xi32>
      %convert_element_type3A_266 = arith.sitofp %convert_element_type3A_265 : vector<64x1000xi32> to vector<64x1000xf32>
      %dot_general3A_267 = arith.constant dense<0.000000e+00> : vector<64x256xf32>
      %dot_general3A_268 = tpu.matmul %convert_element_type3A_266, %add3A_258, %dot_general3A_267 {dimension_numbers = #tpu.dot_dimension_numbers<[1], [0], [0], [1], [0, 0, 1, 1], [], []>, transpose_lhs_hint = false} : vector<64x1000xf32>, vector<1000x256xf32>, vector<64x256xf32> -> vector<64x256xf32>
      %add3A_269 = arith.addf %add3A_251, %dot_general3A_268 : vector<64x256xf32>
      %get3A_270 = arith.constant 6000 : index
      %get3A_271 = arith.constant 0 : index
      %get3A_272 = vector.load %arg14[%get3A_270, %get3A_271] : memref<10000x256xf32, #tpu.memory_space<vmem>>, vector<1000x256xf32>
      %mul3A_273 = vector.broadcast %mul3A_155 : vector<1x256xf32> to vector<1000x256xf32>
      %mul3A_274 = arith.mulf %get3A_272, %mul3A_273 : vector<1000x256xf32>
      %add3A_275 = vector.broadcast %sub3A_160 : vector<1x256xf32> to vector<1000x256xf32>
      %add3A_276 = arith.addf %mul3A_274, %add3A_275 : vector<1000x256xf32>
      %get3A_277 = arith.constant 6 : index
      %get3A_278 = arith.constant 0 : index
      %get3A_279 = vector.load %arg8[%get3A_277, %get3A_278] : memref<10x1000xi32, #tpu.memory_space<vmem>>, vector<1x1000xi32>
      %iota3A_280 = tpu.iota {dimensions = array<i32: 0>} : vector<64x1000xi32>
      %eq3A_281 = vector.broadcast %get3A_279 : vector<1x1000xi32> to vector<64x1000xi32>
      %eq3A_282 = arith.cmpi eq, %iota3A_280, %eq3A_281 : vector<64x1000xi32>
      %convert_element_type3A_283 = arith.extui %eq3A_282 : vector<64x1000xi1> to vector<64x1000xi32>
      %convert_element_type3A_284 = arith.sitofp %convert_element_type3A_283 : vector<64x1000xi32> to vector<64x1000xf32>
      %dot_general3A_285 = arith.constant dense<0.000000e+00> : vector<64x256xf32>
      %dot_general3A_286 = tpu.matmul %convert_element_type3A_284, %add3A_276, %dot_general3A_285 {dimension_numbers = #tpu.dot_dimension_numbers<[1], [0], [0], [1], [0, 0, 1, 1], [], []>, transpose_lhs_hint = false} : vector<64x1000xf32>, vector<1000x256xf32>, vector<64x256xf32> -> vector<64x256xf32>
      %add3A_287 = arith.addf %add3A_269, %dot_general3A_286 : vector<64x256xf32>
      %get3A_288 = arith.constant 7000 : index
      %get3A_289 = arith.constant 0 : index
      %get3A_290 = vector.load %arg14[%get3A_288, %get3A_289] : memref<10000x256xf32, #tpu.memory_space<vmem>>, vector<1000x256xf32>
      %mul3A_291 = vector.broadcast %mul3A_155 : vector<1x256xf32> to vector<1000x256xf32>
      %mul3A_292 = arith.mulf %get3A_290, %mul3A_291 : vector<1000x256xf32>
      %add3A_293 = vector.broadcast %sub3A_160 : vector<1x256xf32> to vector<1000x256xf32>
      %add3A_294 = arith.addf %mul3A_292, %add3A_293 : vector<1000x256xf32>
      %get3A_295 = arith.constant 7 : index
      %get3A_296 = arith.constant 0 : index
      %get3A_297 = vector.load %arg8[%get3A_295, %get3A_296] : memref<10x1000xi32, #tpu.memory_space<vmem>>, vector<1x1000xi32>
      %iota3A_298 = tpu.iota {dimensions = array<i32: 0>} : vector<64x1000xi32>
      %eq3A_299 = vector.broadcast %get3A_297 : vector<1x1000xi32> to vector<64x1000xi32>
      %eq3A_300 = arith.cmpi eq, %iota3A_298, %eq3A_299 : vector<64x1000xi32>
      %convert_element_type3A_301 = arith.extui %eq3A_300 : vector<64x1000xi1> to vector<64x1000xi32>
      %convert_element_type3A_302 = arith.sitofp %convert_element_type3A_301 : vector<64x1000xi32> to vector<64x1000xf32>
      %dot_general3A_303 = arith.constant dense<0.000000e+00> : vector<64x256xf32>
      %dot_general3A_304 = tpu.matmul %convert_element_type3A_302, %add3A_294, %dot_general3A_303 {dimension_numbers = #tpu.dot_dimension_numbers<[1], [0], [0], [1], [0, 0, 1, 1], [], []>, transpose_lhs_hint = false} : vector<64x1000xf32>, vector<1000x256xf32>, vector<64x256xf32> -> vector<64x256xf32>
      %add3A_305 = arith.addf %add3A_287, %dot_general3A_304 : vector<64x256xf32>
      %get3A_306 = arith.constant 8000 : index
      %get3A_307 = arith.constant 0 : index
      %get3A_308 = vector.load %arg14[%get3A_306, %get3A_307] : memref<10000x256xf32, #tpu.memory_space<vmem>>, vector<1000x256xf32>
      %mul3A_309 = vector.broadcast %mul3A_155 : vector<1x256xf32> to vector<1000x256xf32>
      %mul3A_310 = arith.mulf %get3A_308, %mul3A_309 : vector<1000x256xf32>
      %add3A_311 = vector.broadcast %sub3A_160 : vector<1x256xf32> to vector<1000x256xf32>
      %add3A_312 = arith.addf %mul3A_310, %add3A_311 : vector<1000x256xf32>
      %get3A_313 = arith.constant 8 : index
      %get3A_314 = arith.constant 0 : index
      %get3A_315 = vector.load %arg8[%get3A_313, %get3A_314] : memref<10x1000xi32, #tpu.memory_space<vmem>>, vector<1x1000xi32>
      %iota3A_316 = tpu.iota {dimensions = array<i32: 0>} : vector<64x1000xi32>
      %eq3A_317 = vector.broadcast %get3A_315 : vector<1x1000xi32> to vector<64x1000xi32>
      %eq3A_318 = arith.cmpi eq, %iota3A_316, %eq3A_317 : vector<64x1000xi32>
      %convert_element_type3A_319 = arith.extui %eq3A_318 : vector<64x1000xi1> to vector<64x1000xi32>
      %convert_element_type3A_320 = arith.sitofp %convert_element_type3A_319 : vector<64x1000xi32> to vector<64x1000xf32>
      %dot_general3A_321 = arith.constant dense<0.000000e+00> : vector<64x256xf32>
      %dot_general3A_322 = tpu.matmul %convert_element_type3A_320, %add3A_312, %dot_general3A_321 {dimension_numbers = #tpu.dot_dimension_numbers<[1], [0], [0], [1], [0, 0, 1, 1], [], []>, transpose_lhs_hint = false} : vector<64x1000xf32>, vector<1000x256xf32>, vector<64x256xf32> -> vector<64x256xf32>
      %add3A_323 = arith.addf %add3A_305, %dot_general3A_322 : vector<64x256xf32>
      %get3A_324 = arith.constant 9000 : index
      %get3A_325 = arith.constant 0 : index
      %get3A_326 = vector.load %arg14[%get3A_324, %get3A_325] : memref<10000x256xf32, #tpu.memory_space<vmem>>, vector<1000x256xf32>
      %mul3A_327 = vector.broadcast %mul3A_155 : vector<1x256xf32> to vector<1000x256xf32>
      %mul3A_328 = arith.mulf %get3A_326, %mul3A_327 : vector<1000x256xf32>
      %add3A_329 = vector.broadcast %sub3A_160 : vector<1x256xf32> to vector<1000x256xf32>
      %add3A_330 = arith.addf %mul3A_328, %add3A_329 : vector<1000x256xf32>
      %get3A_331 = arith.constant 9 : index
      %get3A_332 = arith.constant 0 : index
      %get3A_333 = vector.load %arg8[%get3A_331, %get3A_332] : memref<10x1000xi32, #tpu.memory_space<vmem>>, vector<1x1000xi32>
      %iota3A_334 = tpu.iota {dimensions = array<i32: 0>} : vector<64x1000xi32>
      %eq3A_335 = vector.broadcast %get3A_333 : vector<1x1000xi32> to vector<64x1000xi32>
      %eq3A_336 = arith.cmpi eq, %iota3A_334, %eq3A_335 : vector<64x1000xi32>
      %convert_element_type3A_337 = arith.extui %eq3A_336 : vector<64x1000xi1> to vector<64x1000xi32>
      %convert_element_type3A_338 = arith.sitofp %convert_element_type3A_337 : vector<64x1000xi32> to vector<64x1000xf32>
      %dot_general3A_339 = arith.constant dense<0.000000e+00> : vector<64x256xf32>
      %dot_general3A_340 = tpu.matmul %convert_element_type3A_338, %add3A_330, %dot_general3A_339 {dimension_numbers = #tpu.dot_dimension_numbers<[1], [0], [0], [1], [0, 0, 1, 1], [], []>, transpose_lhs_hint = false} : vector<64x1000xf32>, vector<1000x256xf32>, vector<64x256xf32> -> vector<64x256xf32>
      %add3A_341 = arith.addf %add3A_323, %dot_general3A_340 : vector<64x256xf32>
      %get3A_342 = arith.constant 0 : index
      %get3A_343 = arith.constant 0 : index
      %get3A_344 = vector.load %arg9[%get3A_342, %get3A_343] : memref<256x256xf32, #tpu.memory_space<vmem>>, vector<256x256xf32>
      %dot_general3A_345 = arith.constant dense<0.000000e+00> : vector<64x256xf32>
      %dot_general3A_346 = tpu.matmul %add3A_341, %get3A_344, %dot_general3A_345 {dimension_numbers = #tpu.dot_dimension_numbers<[1], [0], [0], [1], [0, 0, 1, 1], [], []>, transpose_lhs_hint = false} : vector<64x256xf32>, vector<256x256xf32>, vector<64x256xf32> -> vector<64x256xf32>
      %get3A_347 = arith.constant 0 : index
      %get3A_348 = arith.constant 0 : index
      %get3A_349 = vector.load %arg10[%get3A_347, %get3A_348] : memref<1x256xf32, #tpu.memory_space<vmem>>, vector<1x256xf32>
      %add3A_350 = vector.broadcast %get3A_349 : vector<1x256xf32> to vector<64x256xf32>
      %add3A_351 = arith.addf %dot_general3A_346, %add3A_350 : vector<64x256xf32>
      %max3A_352 = arith.constant 0.000000e+00 : f32
      %max3A_353 = vector.broadcast %max3A_352 : f32 to vector<64x256xf32>
      %max3A_354 = arith.maximumf %add3A_351, %max3A_353 : vector<64x256xf32>
      %get3A_355 = arith.constant 0 : index
      %get3A_356 = arith.constant 0 : index
      %get3A_357 = vector.load %arg11[%get3A_355, %get3A_356] : memref<256x128xf32, #tpu.memory_space<vmem>>, vector<256x128xf32>
      %dot_general3A_358 = arith.constant dense<0.000000e+00> : vector<64x128xf32>
      %dot_general3A_359 = tpu.matmul %max3A_354, %get3A_357, %dot_general3A_358 {dimension_numbers = #tpu.dot_dimension_numbers<[1], [0], [0], [1], [0, 0, 1, 1], [], []>, transpose_lhs_hint = false} : vector<64x256xf32>, vector<256x128xf32>, vector<64x128xf32> -> vector<64x128xf32>
      %get3A_360 = arith.constant 0 : index
      %get3A_361 = arith.constant 0 : index
      %get3A_362 = vector.load %arg12[%get3A_360, %get3A_361] : memref<1x128xf32, #tpu.memory_space<vmem>>, vector<1x128xf32>
      %add3A_363 = vector.broadcast %get3A_362 : vector<1x128xf32> to vector<64x128xf32>
      %add3A_364 = arith.addf %dot_general3A_359, %add3A_363 : vector<64x128xf32>
      %iota3A_365 = tpu.iota {dimensions = array<i32: 1>} : vector<64x128xi32>
      %lt3A = arith.constant 10 : i32
      %lt3A_366 = vector.broadcast %lt3A : i32 to vector<64x128xi32>
      %lt3A_367 = arith.cmpi slt, %iota3A_365, %lt3A_366 : vector<64x128xi32>
      %jit3A = arith.constant -1.000000e+30 : f32
      %broadcast_in_dim3A_368 = vector.broadcast %jit3A : f32 to vector<64x128xf32>
      %select_n3A = arith.select %lt3A_367, %add3A_364, %broadcast_in_dim3A_368 : vector<64x128xi1>, vector<64x128xf32>
      %reduce_max3A = arith.constant dense<0xFF800000> : vector<64xf32>
      %reduce_max3A_369 = vector.multi_reduction <maximumf>, %select_n3A, %reduce_max3A [1] : vector<64x128xf32> to vector<64xf32>
      %broadcast_in_dim3A_370 = vector.shape_cast %reduce_max3A_369 : vector<64xf32> to vector<64x1xf32>
      %sub3A_371 = vector.broadcast %broadcast_in_dim3A_370 : vector<64x1xf32> to vector<64x128xf32>
      %sub3A_372 = arith.subf %add3A_364, %sub3A_371 : vector<64x128xf32>
      %exp3A = math.exp %sub3A_372 : vector<64x128xf32>
      %jit3A_373 = arith.constant 0.000000e+00 : f32
      %broadcast_in_dim3A_374 = vector.broadcast %jit3A_373 : f32 to vector<64x128xf32>
      %select_n3A_375 = arith.select %lt3A_367, %exp3A, %broadcast_in_dim3A_374 : vector<64x128xi1>, vector<64x128xf32>
      %reduce_sum3A_376 = arith.constant dense<0.000000e+00> : vector<64xf32>
      %reduce_sum3A_377 = vector.multi_reduction <add>, %select_n3A_375, %reduce_sum3A_376 [1] : vector<64x128xf32> to vector<64xf32>
      %broadcast_in_dim3A_378 = vector.shape_cast %reduce_sum3A_377 : vector<64xf32> to vector<64x1xf32>
      %log3A = math.log %broadcast_in_dim3A_378 : vector<64x1xf32>
      %add3A_379 = arith.addf %broadcast_in_dim3A_370, %log3A : vector<64x1xf32>
      %sub3A_380 = vector.broadcast %add3A_379 : vector<64x1xf32> to vector<64x128xf32>
      %sub3A_381 = arith.subf %add3A_364, %sub3A_380 : vector<64x128xf32>
      %swap3A_382 = arith.constant 0 : index
      %swap3A_383 = arith.constant 0 : index
      %swap3A_384 = vector.load %arg13[%swap3A_382, %swap3A_383] : memref<64x128xf32, #tpu.memory_space<vmem>>, vector<64x128xf32>
      tpu.vector_store %arg13[%swap3A_382, %swap3A_383], %sub3A_381 {strides = array<i32>} : memref<64x128xf32, #tpu.memory_space<vmem>>, vector<64x128xf32>,
    } else {
    }
    return
  }
  func.func @transform_0(%arg0: i32) -> (i32, i32) {
    %c0_i32 = arith.constant 0 : i32
    %c0_i32_0 = arith.constant 0 : i32
    return %arg0, %c0_i32 : i32, i32
  }
  func.func @transform_1(%arg0: i32) -> (i32, i32) {
    %c0_i32 = arith.constant 0 : i32
    %c0_i32_0 = arith.constant 0 : i32
    %c0_i32_1 = arith.constant 0 : i32
    return %c0_i32, %c0_i32_0 : i32, i32
  }
  func.func @transform_2(%arg0: i32) -> (i32, i32) {
    %c0_i32 = arith.constant 0 : i32
    %c0_i32_0 = arith.constant 0 : i32
    %c0_i32_1 = arith.constant 0 : i32
    return %c0_i32, %c0_i32_0 : i32, i32
  }
  func.func @transform_3(%arg0: i32) -> (i32, i32) {
    %c0_i32 = arith.constant 0 : i32
    %c0_i32_0 = arith.constant 0 : i32
    %c0_i32_1 = arith.constant 0 : i32
    return %c0_i32, %c0_i32_0 : i32, i32
  }
  func.func @transform_4(%arg0: i32) -> (i32, i32) {
    %c0_i32 = arith.constant 0 : i32
    %c0_i32_0 = arith.constant 0 : i32
    %c0_i32_1 = arith.constant 0 : i32
    return %c0_i32, %c0_i32_0 : i32, i32
  }
  func.func @transform_5(%arg0: i32) -> (i32, i32) {
    %c0_i32 = arith.constant 0 : i32
    %c0_i32_0 = arith.constant 0 : i32
    %c0_i32_1 = arith.constant 0 : i32
    return %c0_i32, %c0_i32_0 : i32, i32
  }
  func.func @transform_6(%arg0: i32) -> (i32, i32) {
    %c0_i32 = arith.constant 0 : i32
    %c0_i32_0 = arith.constant 0 : i32
    %c0_i32_1 = arith.constant 0 : i32
    return %c0_i32, %c0_i32_0 : i32, i32
  }
  func.func @transform_7(%arg0: i32) -> (i32, i32) {
    %c0_i32 = arith.constant 0 : i32
    %c0_i32_0 = arith.constant 0 : i32
    %c0_i32_1 = arith.constant 0 : i32
    return %c0_i32, %c0_i32_0 : i32, i32
  }
  func.func @transform_8(%arg0: i32) -> (i32, i32) {
    %c0_i32 = arith.constant 0 : i32
    %c0_i32_0 = arith.constant 0 : i32
    %c0_i32_1 = arith.constant 0 : i32
    return %c0_i32, %c0_i32_0 : i32, i32
  }
  func.func @transform_9(%arg0: i32) -> (i32, i32) {
    %c0_i32 = arith.constant 0 : i32
    %c0_i32_0 = arith.constant 0 : i32
    %c0_i32_1 = arith.constant 0 : i32
    return %c0_i32, %c0_i32_0 : i32, i32
  }
  func.func @transform_10(%arg0: i32) -> (i32, i32) {
    %c0_i32 = arith.constant 0 : i32
    %c0_i32_0 = arith.constant 0 : i32
    %c0_i32_1 = arith.constant 0 : i32
    return %c0_i32, %c0_i32_0 : i32, i32
  }
  func.func @transform_11(%arg0: i32) -> (i32, i32) {
    %c0_i32 = arith.constant 0 : i32
    %c0_i32_0 = arith.constant 0 : i32
    %c0_i32_1 = arith.constant 0 : i32
    return %c0_i32, %c0_i32_0 : i32, i32
  }
  func.func @transform_12(%arg0: i32) -> (i32, i32) {
    %c0_i32 = arith.constant 0 : i32
    %c0_i32_0 = arith.constant 0 : i32
    %c0_i32_1 = arith.constant 0 : i32
    return %c0_i32, %c0_i32_0 : i32, i32
  }
}

</mosaic_0001>

<sc_bundles>
// kernel: kernel.6.cloned.1.call-start
scs
__scs_entry_jumppad:
0x0: {  	(pc) =	sbr.rel $0x88, $3  }
0x1: {  	(tag) =	ssettag $0x0;
	lr =	simm.s32 $0x1  }
0x2: {  	[smem:$0x3F8E] =	sst lr;
	_ =	strace $0xD0000000  }
0x3: {  	_ = 	snop  }
0x4: {  	_ = 	snop  }
0x5: {  	_ = 	snop  }
0x6: {  	_ = 	snop  }
0x7: {  	_ = 	snop  }
__scs_overlays_trampoline_lowered:
0x8: {  	[smem:$0x3F9D] =	sst s0  }
0x9: {  	[smem:$0x3F9E] =	sst s1  }
0xa: {  	[smem:$0x3F9F] =	sst s2  }
0xb: {  	[smem:$0x3FA0] =	sst s3  }
0xc: {  	[smem:$0x3FA1] =	sst s4  }
0xd: {  	[smem:$0x3FA2] =	sst s5  }
0xe: {  	[smem:$0x3FA3] =	sst s6  }
0xf: {  	[smem:$0x3FA4] =	sst s7  }
0x10: {  	[smem:$0x3FA5] =	sst s8  }
0x11: {  	[smem:$0x3FA6] =	sst s9;
	s0 =	simm.s32 @!p0 $0x0  }
0x12: {  	s1 =	sld [smem:$0x3F8C];
	s0 =	simm.s32 @p0 $0x1  }
0x13: {  	[smem:$0x3FA7] =	sst s0;
	s0 =	simm.s32 @!p1 $0x0  }
0x14: {  	s2 =	sld [smem:$0x3F8B];
	s0 =	simm.s32 @p1 $0x1  }
0x15: {  	[smem:$0x3FA8] =	sst s0;
	s0 =	simm.s32 @!p2 $0x0  }
0x16: {  	s3 =	sld [smem:$0x3FDB];
	s0 =	simm.s32 @p2 $0x1  }
0x17: {  	s4 =	simm.s32 $0x1BF5;
	[smem:$0x3FAA] =	sst s0  }
0x18: {  	s0 =	sld [smem:$0x3F8D];
	_ =	swait.ge [sflag:s4], $0x0  }
0x19: {  	s7 =	sld [smem:$0x3F8E]  }
0x1a: {  	s8 =	sadd.s32 $0xFFFFE003, lr  }
0x1b: {  	s9 =	sadd.s32 $0xFFFFFEF7, lr;
	s5 =	simm.s32 $0xFFFFFFFF;
	p2 =	slt.u32 s8, $0xFFFFF086  }
0x1c: {  	p1 =	slt.u32 s9, $0xF7A;
	s5 =	simm.s32 @!p2 $0x0  }
0x1d: {  	s5 =	simm.s32 @p1 $0x1;
	p0 =	seq.s32 s7, s2  }
0x1e: {  	s7 =	smul.u32 @!p0 $0xF7A, s2;
	p2 =	seq.s32 @!p0 s5, $0x0  }
0x1f: {  	s9 =	smul.u32 $0xF7A, s1;
	s8 =	simm.s32 @!p0 $0x1BF5;
	p2 =	por !p2, p0  }
0x20: {  	[sflag:s8] =	ssyncset.s32 @!p0 $0xFFFFF086;
	s6 =	sadd.s32 @!p0 s3, s7;
	s7 =	simm.s32 @!p0 $0x108  }
0x21: {  	s3 =	sadd.s32 s3, s9;
	s6 =	sadd.s32 @!p0 $0x88, s6;
	s7 =	simm.s32 @p2 $0x1082  }
0x22: {  	[simem:s7], [sflag:s8] =	dma.local @!p0 [hbm:s6], $0xF7A  }
0x23: {  	s9 =	sor.u32 $0xD0000000, s2;
	s6 =	simm.s32 $0x108;
	_ =	swait.ge @!p0 [sflag:s8], $0x0  }
0x24: {  	s3 =	sadd.s32 $0x88, s3;
	s6 =	simm.s32 @!p1 $0x1082;
	[sflag:s4] =	ssyncset.s32 $0xFFFFF086  }
0x25: {  	[simem:s6], [sflag:s4] =	dma.local [hbm:s3], $0xF7A  }
0x26: {  	[smem:$0x3F8E] =	sst s1;
	(tag) =	ssettag s2;
	_ =	strace s9  }
0x27: {  	s1 =	sld [smem:$0x3F9E]  }
0x28: {  	s2 =	sld [smem:$0x3F9F]  }
0x29: {  	s4 =	sld [smem:$0x3FA1]  }
0x2a: {  	p0 =	seq.s32 s5, $0x0;
	s5 =	sld [smem:$0x3FA2]  }
0x2b: {  	s6 =	sld [smem:$0x3FA3]  }
0x2c: {  	s7 =	sld [smem:$0x3FA4]  }
0x2d: {  	s3 =	simm.s32 $0x108;
	s8 =	sld [smem:$0x3FA5]  }
0x2e: {  	s3 =	simm.s32 @!p0 $0x1082;
	s9 =	sld [smem:$0x3FA6]  }
0x2f: {  	lr =	sadd.s32 s0, s3;
	s0 =	sld [smem:$0x3F9D]  }
0x30: {  	s3 =	sld [smem:$0x3FA0]  }
0x31: {  	[smem:$0x3FA9] =	sst s10  }
0x32: {  	s10 =	sld [smem:$0x3FA7];
	_ =	sdelay $0x3  }
0x33: {  	p0 =	seq.s32 s10, $0x1;
	s10 =	sld [smem:$0x3FA9];
	_ =	sdelay $0x3  }
0x34: {  	[smem:$0x3FA9] =	sst s10  }
0x35: {  	s10 =	sld [smem:$0x3FA8];
	_ =	sdelay $0x3  }
0x36: {  	p1 =	seq.s32 s10, $0x1;
	s10 =	sld [smem:$0x3FA9];
	_ =	sdelay $0x3  }
0x37: {  	[smem:$0x3FA9] =	sst s10  }
0x38: {  	s10 =	sld [smem:$0x3FAA]  }
0x39: {  	_ = 	snop;
	(pc) =	sbr.ind lr, $3  }
0x3a: {  	_ = 	snop  }
0x3b: {  	_ = 	snop  }
0x3c: {  	p2 =	seq.s32 s10, $0x1;
	s10 =	sld [smem:$0x3FA9]  }
0x3d: {  	_ =	shalt  }
0x3e: {  	_ =	shalt  }
0x3f: {  	_ =	shalt  }
0x40: {  	_ =	shalt  }
0x41: {  	_ =	shalt  }
0x42: {  	_ =	shalt  }
0x43: {  	_ =	shalt  }
0x44: {  	_ =	shalt  }
0x45: {  	_ =	shalt  }
0x46: {  	_ =	shalt  }
0x47: {  	_ =	shalt  }
0x48: {  	_ =	shalt  }
0x49: {  	_ =	shalt  }
0x4a: {  	_ =	shalt  }
0x4b: {  	_ =	shalt  }
0x4c: {  	_ =	shalt  }
0x4d: {  	_ =	shalt  }
0x4e: {  	_ =	shalt  }
0x4f: {  	_ =	shalt  }
0x50: {  	_ =	shalt  }
0x51: {  	_ =	shalt  }
0x52: {  	_ =	shalt  }
0x53: {  	_ =	shalt  }
0x54: {  	_ =	shalt  }
0x55: {  	_ =	shalt  }
0x56: {  	_ =	shalt  }
0x57: {  	_ =	shalt  }
0x58: {  	_ =	shalt  }
0x59: {  	_ =	shalt  }
0x5a: {  	_ =	shalt  }
0x5b: {  	_ =	shalt  }
0x5c: {  	_ =	shalt  }
0x5d: {  	_ =	shalt  }
0x5e: {  	_ =	shalt  }
0x5f: {  	_ =	shalt  }
0x60: {  	_ =	shalt  }
0x61: {  	_ =	shalt  }
0x62: {  	_ =	shalt  }
0x63: {  	_ =	shalt  }
0x64: {  	_ =	shalt  }
0x65: {  	_ =	shalt  }
0x66: {  	_ =	shalt  }
0x67: {  	_ =	shalt  }
0x68: {  	_ =	shalt  }
0x69: {  	_ =	shalt  }
0x6a: {  	_ =	shalt  }
0x6b: {  	_ =	shalt  }
0x6c: {  	_ =	shalt  }
0x6d: {  	_ =	shalt  }
0x6e: {  	_ =	shalt  }
0x6f: {  	_ =	shalt  }
0x70: {  	_ =	shalt  }
0x71: {  	_ =	shalt  }
0x72: {  	_ =	shalt  }
0x73: {  	_ =	shalt  }
0x74: {  	_ =	shalt  }
0x75: {  	_ =	shalt  }
0x76: {  	_ =	shalt  }
0x77: {  	_ =	shalt  }
0x78: {  	_ =	shalt  }
0x79: {  	_ =	shalt  }
0x7a: {  	_ =	shalt  }
0x7b: {  	_ =	shalt  }
0x7c: {  	_ =	shalt  }
0x7d: {  	_ =	shalt  }
0x7e: {  	_ =	shalt  }
0x7f: {  	_ =	shalt  }
0x80: {  	_ =	shalt  }
0x81: {  	_ =	shalt  }
0x82: {  	_ =	shalt  }
0x83: {  	_ =	shalt  }
0x84: {  	_ =	shalt  }
0x85: {  	_ =	shalt  }
0x86: {  	_ =	shalt  }
0x87: {  	_ =	shalt  }
.Lfunc_end0:
.L_simem_size_0:
called_computation_lowered:
.L_overlay_start_0:
0x88: {  	s2 =	sld [smem:$0x3FD9]  }
0x89: {  	s3 =	sld [smem:$0x3FFE];
	_ =	sdelay $0x1  }
0x8a: {  	s1 =	srdreg.scid  }
0x8b: {  	s0 =	sand.u32 $0x1, s1  }
0x8c: {  	s17 =	sshll.u32 s0, $0xA;
	s2 =	sadd.s32 s3, s2  }
0x8d: {  	s2 =	sadd.s32 s2, s17  }
0x8e: {  	[smem:$0x3FB5] =	sst s2  }
0x8f: {  	_ = 	snop  }
0x90: {  	s2 =	sld [smem:$0x3FC9];
	(tm) =	ssettm $0x1  }
0x91: {  	s18 =	sld [smem:$0x3FFB];
	_ =	sdelay $0x3  }
0x92: {  	_ =	strace s18  }
0x93: {  	s3 =	sld [smem:$0x3FFC];
	_ =	sdelay $0x3  }
0x94: {  	_ =	strace s3  }
0x95: {  	s3 =	sld [smem:$0x3FFD];
	_ =	sdelay $0x3  }
0x96: {  	_ =	strace s3  }
0x97: {  	_ =	strace $0x8FFFFFFF  }
0x98: {  	s19 =	sld [smem:$0x3FDB];
	_ =	sdelay $0x1  }
0x99: {  	s4 =	simm.s32 $_scs_section_size  }
0x9a: {  	s5 =	simm.s32 $_size__tile_overlayer_lowered;
	s6 =	simm.s32 $_tile_overlayer_lowered  }
0x9b: {  	s22 =	simm.s32 $0x1BFF;
	s21 =	sshll.u32 s6, $0x1;
	s3 =	sadd.s32 s4, s19  }
0x9c: {  	s7 =	simm.s32 $0x0;
	s20 =	sshll.u32 s5, $0x1;
	s5 =	sadd.s32 s21, s3  }
0x9d: {  	[timem:s7], [sflag:s22] =	dma.local [hbm:s5], s20  }
0x9e: {  	_ =	swait.ge [sflag:s22], s20  }
0x9f: {  	s4 =	ssub.s32 $0x0, s20;
	[sflag:s22] =	ssyncset.done $0x0  }
0xa0: {  	[sflag:s22] =	ssyncadd.s32 s4;
	_ =	sdelay $0x1  }
0xa1: {  	s23 =	simm.s32 $0x1B8B  }
0xa2: {  	_ =	swait.ge [sflag:s23], $0x1  }
0xa3: {  	[sflag:s23] =	ssyncset.done $0x0  }
0xa4: {  	s25 =	simm.s32 $0x1B8E;
	s24 =	sld [smem:$0x3FFE];
	[sflag:s23] =	ssyncadd.s32 $0xFFFFFFFF  }
0xa5: {  	s26 =	simm.s32 $execute0_lowered;
	[smem:$0x3FD2] =	sst s25  }
0xa6: {  	s5 =	sshll.u32 s26, $0x1;
	_ =	strace $0x80000046;
	[dreg:$0x1] =	wrdreg $0xFFFFFFFF  }
0xa7: {  	s28 =	simm.s32 $_size_execute0_lowered;
	s3 =	sadd.s32 s3, s5;
	[dreg:$0x0] =	wrdreg $0x0  }
0xa8: {  	s5 =	sshll.u32 s28, $0x1;
	[dreg:$0x2] =	wrdreg s3  }
0xa9: {  	[dreg:$0x3] =	wrdreg s5  }
0xaa: {  	[dreg:$0x4] =	wrdreg $0xC0  }
0xab: {  	_ =	task [dreg:s7], $0x5FFFF  }
0xac: {  	[dreg:$0x1] =	wrdreg $0xFFFFFFFF  }
0xad: {  	[dreg:$0x0] =	wrdreg $0x60  }
0xae: {  	[dreg:$0x2] =	wrdreg s2  }
0xaf: {  	[dreg:$0x3] =	wrdreg s24  }
0xb0: {  	[dreg:$0x4] =	wrdreg $0x0  }
0xb1: {  	[dreg:$0x5] =	wrdreg $0x9  }
0xb2: {  	_ =	task.clear_ibuf [dreg:s7], $0x6FFFF;
	_ =	strace $0x90000046  }
0xb3: {  	s29 =	simm.s32 $0x9;
	_ =	strace $0x80000048  }
0xb4: {  	_ =	swait.ge [sflag:s29], $0x1  }
0xb5: {  	[sflag:s29] =	ssyncadd.s32 $0xFFFFFFFF  }
0xb6: {  	_ =	strace $0x90000048  }
0xb7: {  	_ =	sfence  }
0xb8: {  	s30 =	sld [smem:$0x0];
	_ =	sdelay $0x2  }
0xb9: {  	s31 =	sshll.u32 s1, $0xD;
	s1 =	sshrl.u32 s1, $0x2  }
0xba: {  	s3 =	sand.u32 $0x4000, s31;
	s1 =	sadd.s32 s1, s30  }
0xbb: {  	s0 =	sor.u32 s3, s0;
	s1 =	sshll.u32 s1, $0x11  }
0xbc: {  	s0 =	sor.u32 s1, s0  }
0xbd: {  	s0 =	sadd.s32 $0x8F2B, s0  }
0xbe: {  	[sflag:s0] =	ssyncadd.remote.s32 $0x1  }
0xbf: {  	_ =	sfence.sel $0xFFFF  }
0xc0: {  	[dreg:$0x0] =	wrdreg $0xFFFFFFFF;
	(pc) =	sbr.abs _section_cstart, $3  }
0xc1: {  	[dreg:$0x1] =	wrdreg $0xFFFFFFFF  }
0xc2: {  	_ =	task.clear_ibuf [dreg:s7], $0x2FFFF;
	_ =	strace $0x9FFFFFFF  }
0xc3: {  	(tm) =	ssettm $0x7FFFFFFF  }
tec
execute0_lowered:
.L_overlay_start_1:
0x0: {  	(tag) =	ssettag $0x1  }
0x1: {  	s0 =	rddreg [dreg:$0x0]  }
0x2: {  	s2 =	rddreg [dreg:$0x1]  }
0x3: {  	s1 =	rddreg [dreg:$0x2]  }
0x4: {  	s3 =	simm.s32 $0x0;
	s4 =	srdreg.scid;
	s13 =	stileid.u32  }
0x5: {  	s28 =	simm.s32 $0x13980;
	s29 =	simm.s32 $0x13A00;
	s30 =	simm.s32 $0x5  }
0x6: {  	s31 =	simm.s32 $0x16280;
	[smem:$0x7FF] =	sst s3;
	s6 =	sand.u32 $0x1, s4  }
0x7: {  	s8 =	smul.u32 $0x2710, s13;
	s4 =	sadd.s32 $0x11000, s2;
	s5 =	sadd.s32 $0x7200, s2  }
0x8: {  	s10 =	sadd.s32 $0x2200, s2;
	s2 =	sadd.s32 $0x5F200, s2;
	s25 =	smul.u32 $0x27000, s13  }
0x9: {  	s12 =	smul.u32 $0x4E000, s13;
	s20 =	sadd.s32 $0x124800, s1;
	p0 =	seq.s32 s13, $0xF  }
0xa: {  	s7 =	smul.u32 $0x27100, s6;
	_ =	strace $0x80000047;
	s9 =	ssub.s32 $0x2, s6  }
0xb: {  	s26 =	sshll.u32 s6, $0xA;
	s6 =	sshll.u32 s6, $0x7;
	[dreg:$0x9] =	wrdreg s20  }
0xc: {  	s11 =	sshrl.u32 s9, $0x1;
	s18 =	sshrl.u32 s12, $0x2;
	s21 =	sadd.s32 s6, s2  }
0xd: {  	s7 =	sadd.s32 s8, s7;
	s9 =	ssub.s32 s9, s11;
	s8 =	sshrl.u32 s8, $0x3  }
0xe: {  	s11 =	sadd.s32 s18, s1;
	s24 =	sshrl.u32 s7, $0x3;
	s15 =	sadd.s32 s10, s8  }
0xf: {  	s8 =	sor.u32 s26, s25;
	[dreg:$0x7] =	wrdreg s11;
	s22 =	sadd.s32 $0xF0, s7  }
0x10: {  	s23 =	smax.u32 s9, $0x1;
	s9 =	simm.s32 $0x2;
	s11 =	simm.s32 $0x0  }
0x11: {  	s14 =	sadd.s32 s5, s24;
	s17 =	sadd.s32 $0xA, s15;
	[dreg:$0xd] =	wrdreg s23  }
0x12: {  	s8 =	sshrl.u32 s8, $0x3;
	s24 =	smul.u32 $0x4E2, s13;
	[dreg:$0x6] =	wrdreg s17  }
0x13: {  	s18 =	smov.u32 s15;
	s26 =	sadd.s32 $0x4D8, s15;
	[dreg:$0x4] =	wrdreg s14  }
0x14: {  	s23 =	simm.s32 $0x13900;
	s16 =	sadd.s32 $0xA, s14;
	[dreg:$0xf] =	wrdreg s26  }
0x15: {  	s19 =	sadd.s32 s0, s8;
	s0 =	sadd.s32 s6, s0;
	[dreg:$0x5] =	wrdreg s16  }
0x16: {  	s2 =	sadd.s32 s2, s8;
	s25 =	sadd.s32 $0x4D8, s14;
	[dreg:$0x8] =	wrdreg s19  }
0x17: {  	s26 =	simm.s32 $0x13A80;
	s8 =	simm.s32 $0x7;
	[dreg:$0xb] =	wrdreg s2  }
0x18: {  	s0 =	sadd.s32 $0x49200, s0;
	[dreg:$0xe] =	wrdreg s25;
	s20 =	sadd.s32 s24, s10  }
0x19: {  	s24 =	simm.s32 $0x3;
	s25 =	simm.s32 $0x50;
	s2 =	simm.s32 $0x4  }
0x1a: {  	s10 =	simm.s32 $0x6;
	[dreg:$0xa] =	wrdreg s0;
	s0 =	sadd.s32 $0x49200, s21  }
0x1b: {  	s21 =	sadd.s32 $0xA0, s7;
	[dreg:$0xc] =	wrdreg s0;
	s0 =	sshrl.u32 s22, $0x3  }
0x1c: {  	s22 =	simm.s32 $0x13880;
	s19 =	sadd.s32 s0, s5;
	s0 =	simm.s32 $0x1  }
.LBB2_1:
0x1d: {  	s6 =	rddreg [dreg:$0x4]  }
0x1e: {  	[tilespmem:s22], [sflag:$0x3] =	stream.linear.gather [hbm4b:s6+s3], $0x50, $0x38;
	[tilespmem:$0x18A80] =	vst v63  }
0x1f: {  	_ = 	snop  }
0x20: {  	[tilespmem:s23], [sflag:$0x4] =	stream.linear.gather [hbm4b:s18+s3], $0x50, $0x38;
	[tilespmem:$0x18A80] =	vst v63  }
0x21: {  	_ =	swait.ge [sflag:s24], $0x50  }
0x22: {  	[sflag:s24] =	ssyncset.done $0x0  }
0x23: {  	[sflag:s24] =	ssyncadd.s32 $0xFFFFFFB0  }
0x24: {  	[tilespmem:s26], [sflag:$0x1] =	stream.indirect.gather [hbm4b:s4+s25], $0x80, s22, s25, $0xb8;
	[tilespmem:$0x18A80] =	vst v63  }
0x25: {  	s12 =	rddreg [dreg:$0x5]  }
0x26: {  	[tilespmem:s28], [sflag:$0x5] =	stream.linear.gather [hbm4b:s12+s3], $0x50, $0x38;
	[tilespmem:$0x18A80] =	vst v63  }
0x27: {  	s13 =	rddreg [dreg:$0x6]  }
0x28: {  	[tilespmem:s29], [sflag:$0x6] =	stream.linear.gather [hbm4b:s13+s3], $0x50, $0x38;
	[tilespmem:$0x18A80] =	vst v63  }
0x29: {  	_ =	swait.ge [sflag:s30], $0x50  }
0x2a: {  	s7 =	simm.s32 @p0 $0x80;
	s14 =	simm.s32 @p0 $0x1FC7;
	s6 =	rddreg [dreg:$0x9]  }
0x2b: {  	s13 =	simm.s32 @p0 $0x100;
	[sflag:s30] =	ssyncset.done $0x0;
	s15 =	rddreg [dreg:$0xa]  }
0x2c: {  	[sflag:s30] =	ssyncadd.s32 $0xFFFFFFB0;
	s12 =	sshrl.u32 @p0 s6, $0x3;
	s6 =	simm.s32 @p0 $0x8  }
0x2d: {  	[tilespmem:s31], [sflag:$0x2] =	stream.indirect.gather [hbm4b:s4+s25], $0x80, s28, s25, $0xb8;
	[tilespmem:$0x18A80] =	vst v63  }
0x2e: {  	[spmem:s12@s7], [sflag:s14] =	dma.strided @p0 [hbm:s15@s13], $0x2800, s6, $0x10   }
0x2f: {  	s6 =	simm.s32 @p0 $0x7  }
0x30: {  	s7 =	stileid.u32;
	s14 =	simm.s32 @!p0 $0x80;
	_ =	swait.ge @p0 [sflag:s6], $0x2800  }
0x31: {  	s15 =	simm.s32 @!p0 $0x100;
	s7 =	sshll.u32 @!p0 s7, $0x6;
	[sflag:s6] =	ssyncset.done @p0 $0x0  }
0x32: {  	s13 =	sor.u32 @!p0 $0x1C07, s7;
	[sflag:s6] =	ssyncadd.s32 @p0 $0xFFFFD800;
	s6 =	rddreg [dreg:$0x7]  }
0x33: {  	s7 =	simm.s32 @!p0 $0x8;
	s16 =	rddreg [dreg:$0x8];
	s6 =	sshrl.u32 @!p0 s6, $0x3  }
0x34: {  	[spmem:s6@s14], [sflag:s13] =	dma.strided @!p0 [hbm:s16@s15], $0x2700, s7, $0x10   }
0x35: {  	s7 =	simm.s32 @!p0 $0x7  }
0x36: {  	_ =	swait.ge @!p0 [sflag:s7], $0x2700  }
0x37: {  	[sflag:s7] =	ssyncset.done @!p0 $0x0  }
0x38: {  	[sflag:s7] =	ssyncadd.s32 @!p0 $0xFFFFD900  }
0x39: {  	[bflag:$0x0] =	sbarrier.arrive $0xFFFF  }
0x3a: {  	_ =	swait.ge [sflag:s0], $0x2800  }
0x3b: {  	s14 =	sshrl.u32 s21, $0x3;
	[sflag:s0] =	ssyncset.done $0x0  }
0x3c: {  	s7 =	sadd.s32 s5, s14;
	[sflag:s0] =	ssyncadd.s32 $0xFFFFD800  }
0x3d: {  	[tilespmem:s22], [sflag:$0x3] =	stream.linear.gather [hbm4b:s7+s3], $0x50, $0x38;
	[tilespmem:$0x18A80] =	vst v63  }
0x3e: {  	_ =	swait.ge [sflag:s2], $0x50  }
0x3f: {  	[sflag:s2] =	ssyncset.done $0x0  }
0x40: {  	[sflag:s2] =	ssyncadd.s32 $0xFFFFFFB0  }
0x41: {  	[spmem:s1] =	stream.indirect.scatter.add.f32 [tilespmem:s26], [sflag:$0x7], $0x80, s23, s25, $0xb8;
	[tilespmem:$0x18A80] =	vst v63  }
0x42: {  	_ =	swait.ge [sflag:s8], $0x2800  }
0x43: {  	s15 =	sadd.s32 $0x0, s20;
	[sflag:s8] =	ssyncset.done $0x0  }
0x44: {  	s16 =	sadd.s32 $0x14, s15;
	[sflag:s8] =	ssyncadd.s32 $0xFFFFD800  }
0x45: {  	[tilespmem:s23], [sflag:$0x4] =	stream.linear.gather [hbm4b:s16+s3], $0x50, $0x38;
	[tilespmem:$0x18A80] =	vst v63  }
0x46: {  	_ =	swait.ge [sflag:s24], $0x50  }
0x47: {  	[sflag:s24] =	ssyncset.done $0x0  }
0x48: {  	[sflag:s24] =	ssyncadd.s32 $0xFFFFFFB0  }
0x49: {  	[tilespmem:s26], [sflag:$0x1] =	stream.indirect.gather [hbm4b:s4+s25], $0x80, s22, s25, $0xb8;
	[tilespmem:$0x18A80] =	vst v63  }
0x4a: {  	_ =	swait.ge [sflag:s9], $0x2800  }
0x4b: {  	[sflag:s9] =	ssyncset.done $0x0  }
0x4c: {  	s17 =	sadd.s32 $0x0, s19;
	[sflag:s9] =	ssyncadd.s32 $0xFFFFD800  }
0x4d: {  	[tilespmem:s28], [sflag:$0x5] =	stream.linear.gather [hbm4b:s17+s3], $0x50, $0x38;
	[tilespmem:$0x18A80] =	vst v63  }
0x4e: {  	_ =	swait.ge [sflag:s10], $0x50  }
0x4f: {  	[sflag:s10] =	ssyncset.done $0x0  }
0x50: {  	[sflag:s10] =	ssyncadd.s32 $0xFFFFFFB0  }
0x51: {  	[spmem:s1] =	stream.indirect.scatter.add.f32 [tilespmem:s31], [sflag:$0x7], $0x80, s29, s25, $0xb8;
	[tilespmem:$0x18A80] =	vst v63  }
0x52: {  	_ =	swait.ge [sflag:s8], $0x2800  }
0x53: {  	[sflag:s8] =	ssyncset.done $0x0  }
0x54: {  	s7 =	sadd.s32 $0x1E, s15;
	[sflag:s8] =	ssyncadd.s32 $0xFFFFD800  }
0x55: {  	[tilespmem:s29], [sflag:$0x6] =	stream.linear.gather [hbm4b:s7+s3], $0x50, $0x38;
	[tilespmem:$0x18A80] =	vst v63  }
0x56: {  	_ =	swait.ge [sflag:s30], $0x50  }
0x57: {  	[sflag:s30] =	ssyncset.done $0x0  }
0x58: {  	s14 =	simm.s32 $0x14;
	s7 =	sadd.s32 $0xA0, s21;
	[sflag:s30] =	ssyncadd.s32 $0xFFFFFFB0  }
.LBB2_2:
0x59: {  	[tilespmem:s31], [sflag:$0x2] =	stream.indirect.gather [hbm4b:s4+s25], $0x80, s28, s25, $0xb8;
	[tilespmem:$0x18A80] =	vst v63  }
0x5a: {  	s15 =	smov.u32 s14  }
0x5b: {  	p1 =	sne.s32 s14, $0x4B0;
	s14 =	sadd.s32 $0x14, s14;
	_ =	swait.ge [sflag:s0], $0x2800  }
0x5c: {  	s16 =	sshrl.u32 s7, $0x3;
	[sflag:s0] =	ssyncset.done $0x0  }
0x5d: {  	s16 =	sadd.s32 s5, s16;
	[sflag:s0] =	ssyncadd.s32 $0xFFFFD800  }
0x5e: {  	[tilespmem:s22], [sflag:$0x3] =	stream.linear.gather [hbm4b:s16+s3], $0x50, $0x38;
	[tilespmem:$0x18A80] =	vst v63  }
0x5f: {  	_ =	swait.ge [sflag:s2], $0x50  }
0x60: {  	[sflag:s2] =	ssyncset.done $0x0  }
0x61: {  	[sflag:s2] =	ssyncadd.s32 $0xFFFFFFB0  }
0x62: {  	[spmem:s1] =	stream.indirect.scatter.add.f32 [tilespmem:s26], [sflag:$0x7], $0x80, s23, s25, $0xb8;
	[tilespmem:$0x18A80] =	vst v63  }
0x63: {  	_ =	swait.ge [sflag:s8], $0x2800  }
0x64: {  	s16 =	sadd.s32 s15, s20;
	[sflag:s8] =	ssyncset.done $0x0  }
0x65: {  	s17 =	sadd.s32 $0x14, s16;
	[sflag:s8] =	ssyncadd.s32 $0xFFFFD800  }
0x66: {  	[tilespmem:s23], [sflag:$0x4] =	stream.linear.gather [hbm4b:s17+s3], $0x50, $0x38;
	[tilespmem:$0x18A80] =	vst v63  }
0x67: {  	_ =	swait.ge [sflag:s24], $0x50  }
0x68: {  	[sflag:s24] =	ssyncset.done $0x0  }
0x69: {  	[sflag:s24] =	ssyncadd.s32 $0xFFFFFFB0  }
0x6a: {  	[tilespmem:s26], [sflag:$0x1] =	stream.indirect.gather [hbm4b:s4+s25], $0x80, s22, s25, $0xb8;
	[tilespmem:$0x18A80] =	vst v63  }
0x6b: {  	_ =	swait.ge [sflag:s9], $0x2800  }
0x6c: {  	[sflag:s9] =	ssyncset.done $0x0  }
0x6d: {  	s15 =	sadd.s32 s15, s19;
	[sflag:s9] =	ssyncadd.s32 $0xFFFFD800  }
0x6e: {  	[tilespmem:s28], [sflag:$0x5] =	stream.linear.gather [hbm4b:s15+s3], $0x50, $0x38;
	[tilespmem:$0x18A80] =	vst v63  }
0x6f: {  	_ =	swait.ge [sflag:s10], $0x50  }
0x70: {  	[sflag:s10] =	ssyncset.done $0x0  }
0x71: {  	[sflag:s10] =	ssyncadd.s32 $0xFFFFFFB0  }
0x72: {  	[spmem:s1] =	stream.indirect.scatter.add.f32 [tilespmem:s31], [sflag:$0x7], $0x80, s29, s25, $0xb8;
	[tilespmem:$0x18A80] =	vst v63  }
0x73: {  	_ =	swait.ge [sflag:s8], $0x2800  }
0x74: {  	[sflag:s8] =	ssyncset.done $0x0  }
.Ltmp0:
0x75: {  	s15 =	sadd.s32 $0x1E, s16;
	[sflag:s8] =	ssyncadd.s32 $0xFFFFD800;
	(pc) =	sbr.rel @p1 .LBB2_2-.Ltmp0, $4  }
0x76: {  	[tilespmem:s29], [sflag:$0x6] =	stream.linear.gather [hbm4b:s15+s3], $0x50, $0x38;
	[tilespmem:$0x18A80] =	vst v63  }
0x77: {  	_ =	swait.ge [sflag:s30], $0x50  }
0x78: {  	[sflag:s30] =	ssyncset.done $0x0  }
0x79: {  	s7 =	sadd.s32 $0xA0, s7;
	[sflag:s30] =	ssyncadd.s32 $0xFFFFFFB0  }
0x7a: {  	[tilespmem:s31], [sflag:$0x2] =	stream.indirect.gather [hbm4b:s4+s25], $0x80, s28, s25, $0xb8;
	[tilespmem:$0x18A80] =	vst v63  }
0x7b: {  	_ =	swait.ge [sflag:s0], $0x2800  }
0x7c: {  	[sflag:s0] =	ssyncset.done $0x0  }
0x7d: {  	s7 =	rddreg [dreg:$0xe];
	[sflag:s0] =	ssyncadd.s32 $0xFFFFD800  }
0x7e: {  	[tilespmem:s22], [sflag:$0x3] =	stream.linear.gather [hbm4b:s7+s3], $0x50, $0x38;
	[tilespmem:$0x18A80] =	vst v63  }
0x7f: {  	_ =	swait.ge [sflag:s2], $0x50  }
0x80: {  	[sflag:s2] =	ssyncset.done $0x0  }
0x81: {  	[sflag:s2] =	ssyncadd.s32 $0xFFFFFFB0  }
0x82: {  	[spmem:s1] =	stream.indirect.scatter.add.f32 [tilespmem:s26], [sflag:$0x7], $0x80, s23, s25, $0xb8;
	[tilespmem:$0x18A80] =	vst v63  }
0x83: {  	_ =	swait.ge [sflag:s8], $0x2800  }
0x84: {  	[sflag:s8] =	ssyncset.done $0x0  }
0x85: {  	s16 =	rddreg [dreg:$0xf];
	[sflag:s8] =	ssyncadd.s32 $0xFFFFD800  }
0x86: {  	[tilespmem:s23], [sflag:$0x4] =	stream.linear.gather [hbm4b:s16+s3], $0x50, $0x38;
	[tilespmem:$0x18A80] =	vst v63  }
0x87: {  	_ =	swait.ge [sflag:s24], $0x50  }
0x88: {  	[sflag:s24] =	ssyncset.done $0x0  }
0x89: {  	[sflag:s24] =	ssyncadd.s32 $0xFFFFFFB0  }
0x8a: {  	[tilespmem:s26], [sflag:$0x1] =	stream.indirect.gather [hbm4b:s4+s25], $0x80, s22, s25, $0xb8;
	[tilespmem:$0x18A80] =	vst v63  }
0x8b: {  	_ =	swait.ge [sflag:s9], $0x2800  }
0x8c: {  	[sflag:s9] =	ssyncset.done $0x0  }
0x8d: {  	[sflag:s9] =	ssyncadd.s32 $0xFFFFD800  }
0x8e: {  	_ =	swait.ge [sflag:s10], $0x50  }
0x8f: {  	[sflag:s10] =	ssyncset.done $0x0  }
0x90: {  	[sflag:s10] =	ssyncadd.s32 $0xFFFFFFB0  }
0x91: {  	[spmem:s1] =	stream.indirect.scatter.add.f32 [tilespmem:s31], [sflag:$0x7], $0x80, s29, s25, $0xb8;
	[tilespmem:$0x18A80] =	vst v63  }
0x92: {  	_ =	swait.ge [sflag:s8], $0x2800  }
0x93: {  	[sflag:s8] =	ssyncset.done $0x0  }
0x94: {  	[sflag:s8] =	ssyncadd.s32 $0xFFFFD800  }
0x95: {  	_ =	swait.ge [sflag:s0], $0x2800  }
0x96: {  	[sflag:s0] =	ssyncset.done $0x0  }
0x97: {  	[sflag:s0] =	ssyncadd.s32 $0xFFFFD800  }
0x98: {  	_ =	swait.ge [sflag:s2], $0x50  }
0x99: {  	[sflag:s2] =	ssyncset.done $0x0  }
0x9a: {  	[sflag:s2] =	ssyncadd.s32 $0xFFFFFFB0  }
0x9b: {  	[spmem:s1] =	stream.indirect.scatter.add.f32 [tilespmem:s26], [sflag:$0x7], $0x80, s23, s25, $0xb8;
	[tilespmem:$0x18A80] =	vst v63  }
0x9c: {  	_ =	swait.ge [sflag:s8], $0x2800  }
0x9d: {  	[sflag:s8] =	ssyncset.done $0x0  }
0x9e: {  	[sflag:s8] =	ssyncadd.s32 $0xFFFFD800  }
0x9f: {  	s14 =	simm.s32 @p0 $0x100;
	s15 =	simm.s32 @p0 $0x80;
	[bflag:$0x0] =	sbarrier.arrive $0xFFFF  }
0xa0: {  	s7 =	simm.s32 @p0 $0x8;
	s16 =	simm.s32 @p0 $0x1FC7;
	s17 =	rddreg [dreg:$0xc]  }
0xa1: {  	[hbm:s17@s14], [sflag:s16] =	dma.strided @p0 [spmem:s12@s15], $0x2800, s7, $0x10   }
0xa2: {  	s7 =	simm.s32 @p0 $0x7  }
0xa3: {  	_ =	swait.ge @p0 [sflag:s7], $0x2800  }
0xa4: {  	s12 =	simm.s32 @!p0 $0x100;
	s14 =	simm.s32 @!p0 $0x80;
	[sflag:s7] =	ssyncset.done @p0 $0x0  }
0xa5: {  	s15 =	rddreg [dreg:$0xb];
	[sflag:s7] =	ssyncadd.s32 @p0 $0xFFFFD800;
	s7 =	simm.s32 @!p0 $0x8  }
0xa6: {  	[hbm:s15@s12], [sflag:s13] =	dma.strided @!p0 [spmem:s6@s14], $0x2700, s7, $0x10   }
0xa7: {  	s6 =	simm.s32 @!p0 $0x7  }
0xa8: {  	_ =	swait.ge @!p0 [sflag:s6], $0x2700  }
0xa9: {  	s11 =	sadd.s32 $0x1, s11;
	s17 =	rddreg [dreg:$0xd]  }
0xaa: {  	p1 =	sne.s32 s11, s17  }
.Ltmp1:
0xab: {  	_ = 	snop;
	(pc) =	sbr.rel @p1 .LBB2_1-.Ltmp1, $3  }
0xac: {  	_ =	sdelay $0x1  }
0xad: {  	[sflag:s6] =	ssyncset.done @!p0 $0x0  }
0xae: {  	[sflag:s6] =	ssyncadd.s32 @!p0 $0xFFFFD900  }
0xaf: {  	_ =	sfence.sel $0x180000  }
0xb0: {  	[bflag:$0x0] =	sbarrier.arrive $0xFFFF  }
0xb1: {  	_ =	strace $0x90000047  }
0xb2: {  	s0 =	stileid.u32;
	[bflag:$0x2] =	sbarrier.arrive $0xFFFF  }
0xb3: {  	p0 =	sne.s32 s0, $0x0;
	s0 =	rddreg [dreg:$0x3]  }
0xb4: {  	s0 =	sadd.s32 @!p0 $0x100000, s0  }
0xb5: {  	[sflag:s0] =	ssyncadd.tile.s32 @!p0 $0x1;
	_ =	shalt  }
.Lfunc_end2:
_tile_overlayer_lowered:
.L_overlay_start_2:
0xb6: {  	(tag) =	ssettag $0x2  }
0xb7: {  	s0 =	rddreg [dreg:$0x0];
	s2 =	stileid.u32  }
0xb8: {  	s1 =	rddreg [dreg:$0x1];
	p0 =	sne.s32 s2, $0x0  }
0xb9: {  	s3 =	rddreg [dreg:$0x2];
	[bflag:$0x3] =	sbarrier.arrive $0xFFFF;
	s2 =	simm.s32 @!p0 $0x1C07  }
0xba: {  	[timem:s3], [sflag:s2] =	dma.local @!p0 [hbm:s0], s1  }
0xbb: {  	s0 =	simm.s32 @!p0 $0x7  }
0xbc: {  	_ =	swait.ge @!p0 [sflag:s0], s1  }
0xbd: {  	s1 =	ssub.s32 @!p0 $0x0, s1;
	[sflag:s0] =	ssyncset.done @!p0 $0x0  }
0xbe: {  	[sflag:s0] =	ssyncadd.s32 @!p0 s1  }
0xbf: {  	[bflag:$0x3] =	sbarrier.arrive $0xFFFF  }
0xc0: {  	_ =	shalt  }

// kernel: kernel.9.cloned.1.call-start
scs
__scs_entry_jumppad:
0x0: {  	(pc) =	sbr.rel $0x88, $3  }
0x1: {  	(tag) =	ssettag $0x0;
	lr =	simm.s32 $0x1  }
0x2: {  	[smem:$0x3F8E] =	sst lr;
	_ =	strace $0xD0000000  }
0x3: {  	_ = 	snop  }
0x4: {  	_ = 	snop  }
0x5: {  	_ = 	snop  }
0x6: {  	_ = 	snop  }
0x7: {  	_ = 	snop  }
__scs_overlays_trampoline_lowered:
0x8: {  	[smem:$0x3F9D] =	sst s0  }
0x9: {  	[smem:$0x3F9E] =	sst s1  }
0xa: {  	[smem:$0x3F9F] =	sst s2  }
0xb: {  	[smem:$0x3FA0] =	sst s3  }
0xc: {  	[smem:$0x3FA1] =	sst s4  }
0xd: {  	[smem:$0x3FA2] =	sst s5  }
0xe: {  	[smem:$0x3FA3] =	sst s6  }
0xf: {  	[smem:$0x3FA4] =	sst s7  }
0x10: {  	[smem:$0x3FA5] =	sst s8  }
0x11: {  	[smem:$0x3FA6] =	sst s9;
	s0 =	simm.s32 @!p0 $0x0  }
0x12: {  	s1 =	sld [smem:$0x3F8C];
	s0 =	simm.s32 @p0 $0x1  }
0x13: {  	[smem:$0x3FA7] =	sst s0;
	s0 =	simm.s32 @!p1 $0x0  }
0x14: {  	s2 =	sld [smem:$0x3F8B];
	s0 =	simm.s32 @p1 $0x1  }
0x15: {  	[smem:$0x3FA8] =	sst s0;
	s0 =	simm.s32 @!p2 $0x0  }
0x16: {  	s3 =	sld [smem:$0x3FDB];
	s0 =	simm.s32 @p2 $0x1  }
0x17: {  	s4 =	simm.s32 $0x1BF5;
	[smem:$0x3FAA] =	sst s0  }
0x18: {  	s0 =	sld [smem:$0x3F8D];
	_ =	swait.ge [sflag:s4], $0x0  }
0x19: {  	s7 =	sld [smem:$0x3F8E]  }
0x1a: {  	s8 =	sadd.s32 $0xFFFFE003, lr  }
0x1b: {  	s9 =	sadd.s32 $0xFFFFFEF7, lr;
	s5 =	simm.s32 $0xFFFFFFFF;
	p2 =	slt.u32 s8, $0xFFFFF086  }
0x1c: {  	p1 =	slt.u32 s9, $0xF7A;
	s5 =	simm.s32 @!p2 $0x0  }
0x1d: {  	s5 =	simm.s32 @p1 $0x1;
	p0 =	seq.s32 s7, s2  }
0x1e: {  	s7 =	smul.u32 @!p0 $0xF7A, s2;
	p2 =	seq.s32 @!p0 s5, $0x0  }
0x1f: {  	s9 =	smul.u32 $0xF7A, s1;
	s8 =	simm.s32 @!p0 $0x1BF5;
	p2 =	por !p2, p0  }
0x20: {  	[sflag:s8] =	ssyncset.s32 @!p0 $0xFFFFF086;
	s6 =	sadd.s32 @!p0 s3, s7;
	s7 =	simm.s32 @!p0 $0x108  }
0x21: {  	s3 =	sadd.s32 s3, s9;
	s6 =	sadd.s32 @!p0 $0x88, s6;
	s7 =	simm.s32 @p2 $0x1082  }
0x22: {  	[simem:s7], [sflag:s8] =	dma.local @!p0 [hbm:s6], $0xF7A  }
0x23: {  	s9 =	sor.u32 $0xD0000000, s2;
	s6 =	simm.s32 $0x108;
	_ =	swait.ge @!p0 [sflag:s8], $0x0  }
0x24: {  	s3 =	sadd.s32 $0x88, s3;
	s6 =	simm.s32 @!p1 $0x1082;
	[sflag:s4] =	ssyncset.s32 $0xFFFFF086  }
0x25: {  	[simem:s6], [sflag:s4] =	dma.local [hbm:s3], $0xF7A  }
0x26: {  	[smem:$0x3F8E] =	sst s1;
	(tag) =	ssettag s2;
	_ =	strace s9  }
0x27: {  	s1 =	sld [smem:$0x3F9E]  }
0x28: {  	s2 =	sld [smem:$0x3F9F]  }
0x29: {  	s4 =	sld [smem:$0x3FA1]  }
0x2a: {  	p0 =	seq.s32 s5, $0x0;
	s5 =	sld [smem:$0x3FA2]  }
0x2b: {  	s6 =	sld [smem:$0x3FA3]  }
0x2c: {  	s7 =	sld [smem:$0x3FA4]  }
0x2d: {  	s3 =	simm.s32 $0x108;
	s8 =	sld [smem:$0x3FA5]  }
0x2e: {  	s3 =	simm.s32 @!p0 $0x1082;
	s9 =	sld [smem:$0x3FA6]  }
0x2f: {  	lr =	sadd.s32 s0, s3;
	s0 =	sld [smem:$0x3F9D]  }
0x30: {  	s3 =	sld [smem:$0x3FA0]  }
0x31: {  	[smem:$0x3FA9] =	sst s10  }
0x32: {  	s10 =	sld [smem:$0x3FA7];
	_ =	sdelay $0x3  }
0x33: {  	p0 =	seq.s32 s10, $0x1;
	s10 =	sld [smem:$0x3FA9];
	_ =	sdelay $0x3  }
0x34: {  	[smem:$0x3FA9] =	sst s10  }
0x35: {  	s10 =	sld [smem:$0x3FA8];
	_ =	sdelay $0x3  }
0x36: {  	p1 =	seq.s32 s10, $0x1;
	s10 =	sld [smem:$0x3FA9];
	_ =	sdelay $0x3  }
0x37: {  	[smem:$0x3FA9] =	sst s10  }
0x38: {  	s10 =	sld [smem:$0x3FAA]  }
0x39: {  	_ = 	snop;
	(pc) =	sbr.ind lr, $3  }
0x3a: {  	_ = 	snop  }
0x3b: {  	_ = 	snop  }
0x3c: {  	p2 =	seq.s32 s10, $0x1;
	s10 =	sld [smem:$0x3FA9]  }
0x3d: {  	_ =	shalt  }
0x3e: {  	_ =	shalt  }
0x3f: {  	_ =	shalt  }
0x40: {  	_ =	shalt  }
0x41: {  	_ =	shalt  }
0x42: {  	_ =	shalt  }
0x43: {  	_ =	shalt  }
0x44: {  	_ =	shalt  }
0x45: {  	_ =	shalt  }
0x46: {  	_ =	shalt  }
0x47: {  	_ =	shalt  }
0x48: {  	_ =	shalt  }
0x49: {  	_ =	shalt  }
0x4a: {  	_ =	shalt  }
0x4b: {  	_ =	shalt  }
0x4c: {  	_ =	shalt  }
0x4d: {  	_ =	shalt  }
0x4e: {  	_ =	shalt  }
0x4f: {  	_ =	shalt  }
0x50: {  	_ =	shalt  }
0x51: {  	_ =	shalt  }
0x52: {  	_ =	shalt  }
0x53: {  	_ =	shalt  }
0x54: {  	_ =	shalt  }
0x55: {  	_ =	shalt  }
0x56: {  	_ =	shalt  }
0x57: {  	_ =	shalt  }
0x58: {  	_ =	shalt  }
0x59: {  	_ =	shalt  }
0x5a: {  	_ =	shalt  }
0x5b: {  	_ =	shalt  }
0x5c: {  	_ =	shalt  }
0x5d: {  	_ =	shalt  }
0x5e: {  	_ =	shalt  }
0x5f: {  	_ =	shalt  }
0x60: {  	_ =	shalt  }
0x61: {  	_ =	shalt  }
0x62: {  	_ =	shalt  }
0x63: {  	_ =	shalt  }
0x64: {  	_ =	shalt  }
0x65: {  	_ =	shalt  }
0x66: {  	_ =	shalt  }
0x67: {  	_ =	shalt  }
0x68: {  	_ =	shalt  }
0x69: {  	_ =	shalt  }
0x6a: {  	_ =	shalt  }
0x6b: {  	_ =	shalt  }
0x6c: {  	_ =	shalt  }
0x6d: {  	_ =	shalt  }
0x6e: {  	_ =	shalt  }
0x6f: {  	_ =	shalt  }
0x70: {  	_ =	shalt  }
0x71: {  	_ =	shalt  }
0x72: {  	_ =	shalt  }
0x73: {  	_ =	shalt  }
0x74: {  	_ =	shalt  }
0x75: {  	_ =	shalt  }
0x76: {  	_ =	shalt  }
0x77: {  	_ =	shalt  }
0x78: {  	_ =	shalt  }
0x79: {  	_ =	shalt  }
0x7a: {  	_ =	shalt  }
0x7b: {  	_ =	shalt  }
0x7c: {  	_ =	shalt  }
0x7d: {  	_ =	shalt  }
0x7e: {  	_ =	shalt  }
0x7f: {  	_ =	shalt  }
0x80: {  	_ =	shalt  }
0x81: {  	_ =	shalt  }
0x82: {  	_ =	shalt  }
0x83: {  	_ =	shalt  }
0x84: {  	_ =	shalt  }
0x85: {  	_ =	shalt  }
0x86: {  	_ =	shalt  }
0x87: {  	_ =	shalt  }
.Lfunc_end0:
.L_simem_size_0:
called_computation.1_lowered:
.L_overlay_start_0:
0x88: {  	s2 =	sld [smem:$0x3FD9]  }
0x89: {  	s3 =	sld [smem:$0x3FFE];
	_ =	sdelay $0x1  }
0x8a: {  	s1 =	srdreg.scid  }
0x8b: {  	s0 =	sand.u32 $0x1, s1  }
0x8c: {  	s16 =	sshll.u32 s0, $0xA;
	s2 =	sadd.s32 s3, s2  }
0x8d: {  	s2 =	sadd.s32 s2, s16  }
0x8e: {  	[smem:$0x3FB5] =	sst s2  }
0x8f: {  	_ = 	snop  }
0x90: {  	(tm) =	ssettm $0x1  }
0x91: {  	s17 =	sld [smem:$0x3FFB];
	_ =	sdelay $0x3  }
0x92: {  	_ =	strace s17  }
0x93: {  	s2 =	sld [smem:$0x3FFC];
	_ =	sdelay $0x3  }
0x94: {  	_ =	strace s2  }
0x95: {  	s2 =	sld [smem:$0x3FFD];
	_ =	sdelay $0x3  }
0x96: {  	_ =	strace s2  }
0x97: {  	_ =	strace $0x8FFFFFFF  }
0x98: {  	s18 =	sld [smem:$0x3FDB];
	_ =	sdelay $0x1  }
0x99: {  	s19 =	simm.s32 $_scs_section_size  }
0x9a: {  	s4 =	simm.s32 $_size__tile_overlayer_lowered;
	s5 =	simm.s32 $_tile_overlayer_lowered  }
0x9b: {  	s22 =	simm.s32 $0x1BFF;
	s21 =	sshll.u32 s5, $0x1;
	s2 =	sadd.s32 s19, s18  }
0x9c: {  	s6 =	simm.s32 $0x0;
	s20 =	sshll.u32 s4, $0x1;
	s4 =	sadd.s32 s21, s2  }
0x9d: {  	[timem:s6], [sflag:s22] =	dma.local [hbm:s4], s20  }
0x9e: {  	_ =	swait.ge [sflag:s22], s20  }
0x9f: {  	s3 =	ssub.s32 $0x0, s20;
	[sflag:s22] =	ssyncset.done $0x0  }
0xa0: {  	[sflag:s22] =	ssyncadd.s32 s3;
	_ =	sdelay $0x1  }
0xa1: {  	s23 =	simm.s32 $0x1B8B  }
0xa2: {  	_ =	swait.ge [sflag:s23], $0x1  }
0xa3: {  	[sflag:s23] =	ssyncset.done $0x0  }
0xa4: {  	s25 =	simm.s32 $0x1B8E;
	s24 =	sld [smem:$0x3FFE];
	[sflag:s23] =	ssyncadd.s32 $0xFFFFFFFF  }
0xa5: {  	s26 =	simm.s32 $execute0_lowered;
	[smem:$0x3FD2] =	sst s25  }
0xa6: {  	s4 =	sshll.u32 s26, $0x1;
	_ =	strace $0x80000049;
	[dreg:$0x1] =	wrdreg $0xFFFFFFFF  }
0xa7: {  	s28 =	simm.s32 $_size_execute0_lowered;
	s2 =	sadd.s32 s2, s4;
	[dreg:$0x0] =	wrdreg $0x0  }
0xa8: {  	s4 =	sshll.u32 s28, $0x1;
	[dreg:$0x2] =	wrdreg s2  }
0xa9: {  	[dreg:$0x3] =	wrdreg s4  }
0xaa: {  	[dreg:$0x4] =	wrdreg $0xC0  }
0xab: {  	_ =	task [dreg:s6], $0x5FFFF  }
0xac: {  	[dreg:$0x1] =	wrdreg $0xFFFFFFFF  }
0xad: {  	[dreg:$0x0] =	wrdreg $0x60  }
0xae: {  	[dreg:$0x2] =	wrdreg s24  }
0xaf: {  	[dreg:$0x3] =	wrdreg $0x0  }
0xb0: {  	[dreg:$0x4] =	wrdreg $0x9  }
0xb1: {  	_ =	task.clear_ibuf [dreg:s6], $0x5FFFF;
	_ =	strace $0x90000049  }
0xb2: {  	s29 =	simm.s32 $0x9;
	_ =	strace $0x8000004B  }
0xb3: {  	_ =	swait.ge [sflag:s29], $0x1  }
0xb4: {  	[sflag:s29] =	ssyncadd.s32 $0xFFFFFFFF  }
0xb5: {  	_ =	strace $0x9000004B  }
0xb6: {  	_ =	sfence  }
0xb7: {  	s30 =	sld [smem:$0x0];
	_ =	sdelay $0x2  }
0xb8: {  	s31 =	sshll.u32 s1, $0xD;
	s1 =	sshrl.u32 s1, $0x2  }
0xb9: {  	s3 =	sand.u32 $0x4000, s31;
	s1 =	sadd.s32 s1, s30  }
0xba: {  	s0 =	sor.u32 s3, s0;
	s1 =	sshll.u32 s1, $0x11  }
0xbb: {  	s0 =	sor.u32 s1, s0  }
0xbc: {  	s0 =	sadd.s32 $0x8F2B, s0  }
0xbd: {  	[sflag:s0] =	ssyncadd.remote.s32 $0x1  }
0xbe: {  	_ =	sfence.sel $0xFFFF  }
0xbf: {  	[dreg:$0x0] =	wrdreg $0xFFFFFFFF;
	(pc) =	sbr.abs _section_cstart, $3  }
0xc0: {  	[dreg:$0x1] =	wrdreg $0xFFFFFFFF  }
0xc1: {  	_ =	task.clear_ibuf [dreg:s6], $0x2FFFF;
	_ =	strace $0x9FFFFFFF  }
0xc2: {  	(tm) =	ssettm $0x7FFFFFFF  }
0xc3: {  	_ =	shalt  }
tec
execute0_lowered:
.L_overlay_start_1:
0x0: {  	(tag) =	ssettag $0x1  }
0x1: {  	s0 =	rddreg [dreg:$0x0]  }
0x2: {  	s1 =	rddreg [dreg:$0x1];
	s3 =	simm.s32 $0x0  }
0x3: {  	s2 =	srdreg.scid;
	s13 =	stileid.u32;
	s28 =	simm.s32 $0x13980  }
0x4: {  	s29 =	simm.s32 $0x13A00;
	s30 =	simm.s32 $0x5;
	s31 =	simm.s32 $0x16280  }
0x5: {  	[smem:$0x7FF] =	sst s3;
	s2 =	sand.u32 $0x1, s2;
	s7 =	sadd.s32 $0x11000, s0  }
0x6: {  	s8 =	smul.u32 $0x2710, s13;
	s4 =	sadd.s32 $0x5F200, s0;
	s5 =	sadd.s32 $0x7200, s0  }
0x7: {  	s10 =	sadd.s32 $0x2200, s0;
	s0 =	sadd.s32 $0xAD400, s0;
	s25 =	smul.u32 $0x27000, s13  }
0x8: {  	s12 =	smul.u32 $0x4E000, s13;
	s20 =	sadd.s32 $0x124800, s1;
	p0 =	seq.s32 s13, $0xF  }
0x9: {  	s6 =	smul.u32 $0x27100, s2;
	_ =	strace $0x8000004A;
	s9 =	ssub.s32 $0x2, s2  }
0xa: {  	s26 =	sshll.u32 s2, $0xA;
	s2 =	sshll.u32 s2, $0x7;
	[dreg:$0x8] =	wrdreg s20  }
0xb: {  	s11 =	sshrl.u32 s9, $0x1;
	s18 =	sshrl.u32 s12, $0x2;
	s6 =	sadd.s32 s8, s6  }
0xc: {  	s9 =	ssub.s32 s9, s11;
	s8 =	sshrl.u32 s8, $0x3;
	s11 =	sadd.s32 s18, s1  }
0xd: {  	s24 =	sshrl.u32 s6, $0x3;
	s15 =	sadd.s32 s10, s8;
	s8 =	sor.u32 s26, s25  }
0xe: {  	[dreg:$0x6] =	wrdreg s11;
	s22 =	sadd.s32 $0xF0, s6;
	s23 =	smax.u32 s9, $0x1  }
0xf: {  	s9 =	simm.s32 $0x2;
	s11 =	simm.s32 $0x0;
	s14 =	sadd.s32 s5, s24  }
0x10: {  	s17 =	sadd.s32 $0xA, s15;
	s8 =	sshrl.u32 s8, $0x3;
	[dreg:$0xc] =	wrdreg s23  }
0x11: {  	s24 =	smul.u32 $0x4E2, s13;
	s18 =	smov.u32 s15;
	s26 =	sadd.s32 $0x4D8, s15  }
0x12: {  	s23 =	simm.s32 $0x13900;
	s16 =	sadd.s32 $0xA, s14;
	[dreg:$0x5] =	wrdreg s17  }
0x13: {  	s19 =	sadd.s32 s7, s8;
	s7 =	sadd.s32 s2, s7;
	[dreg:$0x3] =	wrdreg s14  }
0x14: {  	s2 =	sadd.s32 s2, s0;
	s0 =	sadd.s32 s0, s8;
	[dreg:$0xe] =	wrdreg s26  }
0x15: {  	s25 =	sadd.s32 $0x4D8, s14;
	s26 =	simm.s32 $0x13A80;
	[dreg:$0x4] =	wrdreg s16  }
0x16: {  	s8 =	simm.s32 $0x7;
	[dreg:$0x7] =	wrdreg s19;
	s7 =	sadd.s32 $0x49200, s7  }
0x17: {  	[dreg:$0xa] =	wrdreg s0;
	s21 =	sadd.s32 $0x49200, s2;
	s0 =	sshrl.u32 s22, $0x3  }
0x18: {  	[dreg:$0xd] =	wrdreg s25;
	s20 =	sadd.s32 s24, s10;
	s22 =	simm.s32 $0x13880  }
0x19: {  	s24 =	simm.s32 $0x3;
	s25 =	simm.s32 $0x50;
	[dreg:$0x9] =	wrdreg s7  }
0x1a: {  	s2 =	simm.s32 $0x4;
	s10 =	simm.s32 $0x6;
	[dreg:$0xb] =	wrdreg s21  }
0x1b: {  	s19 =	sadd.s32 s0, s5;
	s21 =	sadd.s32 $0xA0, s6;
	s0 =	simm.s32 $0x1  }
.LBB2_1:
0x1c: {  	s6 =	rddreg [dreg:$0x3]  }
0x1d: {  	[tilespmem:s22], [sflag:$0x3] =	stream.linear.gather [hbm4b:s6+s3], $0x50, $0x38;
	[tilespmem:$0x18A80] =	vst v63  }
0x1e: {  	_ = 	snop  }
0x1f: {  	[tilespmem:s23], [sflag:$0x4] =	stream.linear.gather [hbm4b:s18+s3], $0x50, $0x38;
	[tilespmem:$0x18A80] =	vst v63  }
0x20: {  	_ =	swait.ge [sflag:s24], $0x50  }
0x21: {  	[sflag:s24] =	ssyncset.done $0x0  }
0x22: {  	[sflag:s24] =	ssyncadd.s32 $0xFFFFFFB0  }
0x23: {  	[tilespmem:s26], [sflag:$0x1] =	stream.indirect.gather [hbm4b:s4+s25], $0x80, s22, s25, $0xb8;
	[tilespmem:$0x18A80] =	vst v63  }
0x24: {  	s12 =	rddreg [dreg:$0x4]  }
0x25: {  	[tilespmem:s28], [sflag:$0x5] =	stream.linear.gather [hbm4b:s12+s3], $0x50, $0x38;
	[tilespmem:$0x18A80] =	vst v63  }
0x26: {  	s13 =	rddreg [dreg:$0x5]  }
0x27: {  	[tilespmem:s29], [sflag:$0x6] =	stream.linear.gather [hbm4b:s13+s3], $0x50, $0x38;
	[tilespmem:$0x18A80] =	vst v63  }
0x28: {  	_ =	swait.ge [sflag:s30], $0x50  }
0x29: {  	s7 =	simm.s32 @p0 $0x80;
	s14 =	simm.s32 @p0 $0x1FC7;
	s6 =	rddreg [dreg:$0x8]  }
0x2a: {  	s13 =	simm.s32 @p0 $0x100;
	[sflag:s30] =	ssyncset.done $0x0;
	s15 =	rddreg [dreg:$0x9]  }
0x2b: {  	[sflag:s30] =	ssyncadd.s32 $0xFFFFFFB0;
	s12 =	sshrl.u32 @p0 s6, $0x3;
	s6 =	simm.s32 @p0 $0x8  }
0x2c: {  	[tilespmem:s31], [sflag:$0x2] =	stream.indirect.gather [hbm4b:s4+s25], $0x80, s28, s25, $0xb8;
	[tilespmem:$0x18A80] =	vst v63  }
0x2d: {  	[spmem:s12@s7], [sflag:s14] =	dma.strided @p0 [hbm:s15@s13], $0x2800, s6, $0x10   }
0x2e: {  	s6 =	simm.s32 @p0 $0x7  }
0x2f: {  	s7 =	stileid.u32;
	s14 =	simm.s32 @!p0 $0x80;
	_ =	swait.ge @p0 [sflag:s6], $0x2800  }
0x30: {  	s15 =	simm.s32 @!p0 $0x100;
	s7 =	sshll.u32 @!p0 s7, $0x6;
	[sflag:s6] =	ssyncset.done @p0 $0x0  }
0x31: {  	s13 =	sor.u32 @!p0 $0x1C07, s7;
	[sflag:s6] =	ssyncadd.s32 @p0 $0xFFFFD800;
	s6 =	rddreg [dreg:$0x6]  }
0x32: {  	s7 =	simm.s32 @!p0 $0x8;
	s16 =	rddreg [dreg:$0x7];
	s6 =	sshrl.u32 @!p0 s6, $0x3  }
0x33: {  	[spmem:s6@s14], [sflag:s13] =	dma.strided @!p0 [hbm:s16@s15], $0x2700, s7, $0x10   }
0x34: {  	s7 =	simm.s32 @!p0 $0x7  }
0x35: {  	_ =	swait.ge @!p0 [sflag:s7], $0x2700  }
0x36: {  	[sflag:s7] =	ssyncset.done @!p0 $0x0  }
0x37: {  	[sflag:s7] =	ssyncadd.s32 @!p0 $0xFFFFD900  }
0x38: {  	[bflag:$0x0] =	sbarrier.arrive $0xFFFF  }
0x39: {  	_ =	swait.ge [sflag:s0], $0x2800  }
0x3a: {  	s14 =	sshrl.u32 s21, $0x3;
	[sflag:s0] =	ssyncset.done $0x0  }
0x3b: {  	s7 =	sadd.s32 s5, s14;
	[sflag:s0] =	ssyncadd.s32 $0xFFFFD800  }
0x3c: {  	[tilespmem:s22], [sflag:$0x3] =	stream.linear.gather [hbm4b:s7+s3], $0x50, $0x38;
	[tilespmem:$0x18A80] =	vst v63  }
0x3d: {  	_ =	swait.ge [sflag:s2], $0x50  }
0x3e: {  	[sflag:s2] =	ssyncset.done $0x0  }
0x3f: {  	[sflag:s2] =	ssyncadd.s32 $0xFFFFFFB0  }
0x40: {  	[spmem:s1] =	stream.indirect.scatter.add.f32 [tilespmem:s26], [sflag:$0x7], $0x80, s23, s25, $0xb8;
	[tilespmem:$0x18A80] =	vst v63  }
0x41: {  	_ =	swait.ge [sflag:s8], $0x2800  }
0x42: {  	s15 =	sadd.s32 $0x0, s20;
	[sflag:s8] =	ssyncset.done $0x0  }
0x43: {  	s16 =	sadd.s32 $0x14, s15;
	[sflag:s8] =	ssyncadd.s32 $0xFFFFD800  }
0x44: {  	[tilespmem:s23], [sflag:$0x4] =	stream.linear.gather [hbm4b:s16+s3], $0x50, $0x38;
	[tilespmem:$0x18A80] =	vst v63  }
0x45: {  	_ =	swait.ge [sflag:s24], $0x50  }
0x46: {  	[sflag:s24] =	ssyncset.done $0x0  }
0x47: {  	[sflag:s24] =	ssyncadd.s32 $0xFFFFFFB0  }
0x48: {  	[tilespmem:s26], [sflag:$0x1] =	stream.indirect.gather [hbm4b:s4+s25], $0x80, s22, s25, $0xb8;
	[tilespmem:$0x18A80] =	vst v63  }
0x49: {  	_ =	swait.ge [sflag:s9], $0x2800  }
0x4a: {  	[sflag:s9] =	ssyncset.done $0x0  }
0x4b: {  	s17 =	sadd.s32 $0x0, s19;
	[sflag:s9] =	ssyncadd.s32 $0xFFFFD800  }
0x4c: {  	[tilespmem:s28], [sflag:$0x5] =	stream.linear.gather [hbm4b:s17+s3], $0x50, $0x38;
	[tilespmem:$0x18A80] =	vst v63  }
0x4d: {  	_ =	swait.ge [sflag:s10], $0x50  }
0x4e: {  	[sflag:s10] =	ssyncset.done $0x0  }
0x4f: {  	[sflag:s10] =	ssyncadd.s32 $0xFFFFFFB0  }
0x50: {  	[spmem:s1] =	stream.indirect.scatter.add.f32 [tilespmem:s31], [sflag:$0x7], $0x80, s29, s25, $0xb8;
	[tilespmem:$0x18A80] =	vst v63  }
0x51: {  	_ =	swait.ge [sflag:s8], $0x2800  }
0x52: {  	[sflag:s8] =	ssyncset.done $0x0  }
0x53: {  	s7 =	sadd.s32 $0x1E, s15;
	[sflag:s8] =	ssyncadd.s32 $0xFFFFD800  }
0x54: {  	[tilespmem:s29], [sflag:$0x6] =	stream.linear.gather [hbm4b:s7+s3], $0x50, $0x38;
	[tilespmem:$0x18A80] =	vst v63  }
0x55: {  	_ =	swait.ge [sflag:s30], $0x50  }
0x56: {  	[sflag:s30] =	ssyncset.done $0x0  }
0x57: {  	s14 =	simm.s32 $0x14;
	s7 =	sadd.s32 $0xA0, s21;
	[sflag:s30] =	ssyncadd.s32 $0xFFFFFFB0  }
.LBB2_2:
0x58: {  	[tilespmem:s31], [sflag:$0x2] =	stream.indirect.gather [hbm4b:s4+s25], $0x80, s28, s25, $0xb8;
	[tilespmem:$0x18A80] =	vst v63  }
0x59: {  	s15 =	smov.u32 s14  }
0x5a: {  	p1 =	sne.s32 s14, $0x4B0;
	s14 =	sadd.s32 $0x14, s14;
	_ =	swait.ge [sflag:s0], $0x2800  }
0x5b: {  	s16 =	sshrl.u32 s7, $0x3;
	[sflag:s0] =	ssyncset.done $0x0  }
0x5c: {  	s16 =	sadd.s32 s5, s16;
	[sflag:s0] =	ssyncadd.s32 $0xFFFFD800  }
0x5d: {  	[tilespmem:s22], [sflag:$0x3] =	stream.linear.gather [hbm4b:s16+s3], $0x50, $0x38;
	[tilespmem:$0x18A80] =	vst v63  }
0x5e: {  	_ =	swait.ge [sflag:s2], $0x50  }
0x5f: {  	[sflag:s2] =	ssyncset.done $0x0  }
0x60: {  	[sflag:s2] =	ssyncadd.s32 $0xFFFFFFB0  }
0x61: {  	[spmem:s1] =	stream.indirect.scatter.add.f32 [tilespmem:s26], [sflag:$0x7], $0x80, s23, s25, $0xb8;
	[tilespmem:$0x18A80] =	vst v63  }
0x62: {  	_ =	swait.ge [sflag:s8], $0x2800  }
0x63: {  	s16 =	sadd.s32 s15, s20;
	[sflag:s8] =	ssyncset.done $0x0  }
0x64: {  	s17 =	sadd.s32 $0x14, s16;
	[sflag:s8] =	ssyncadd.s32 $0xFFFFD800  }
0x65: {  	[tilespmem:s23], [sflag:$0x4] =	stream.linear.gather [hbm4b:s17+s3], $0x50, $0x38;
	[tilespmem:$0x18A80] =	vst v63  }
0x66: {  	_ =	swait.ge [sflag:s24], $0x50  }
0x67: {  	[sflag:s24] =	ssyncset.done $0x0  }
0x68: {  	[sflag:s24] =	ssyncadd.s32 $0xFFFFFFB0  }
0x69: {  	[tilespmem:s26], [sflag:$0x1] =	stream.indirect.gather [hbm4b:s4+s25], $0x80, s22, s25, $0xb8;
	[tilespmem:$0x18A80] =	vst v63  }
0x6a: {  	_ =	swait.ge [sflag:s9], $0x2800  }
0x6b: {  	[sflag:s9] =	ssyncset.done $0x0  }
0x6c: {  	s15 =	sadd.s32 s15, s19;
	[sflag:s9] =	ssyncadd.s32 $0xFFFFD800  }
0x6d: {  	[tilespmem:s28], [sflag:$0x5] =	stream.linear.gather [hbm4b:s15+s3], $0x50, $0x38;
	[tilespmem:$0x18A80] =	vst v63  }
0x6e: {  	_ =	swait.ge [sflag:s10], $0x50  }
0x6f: {  	[sflag:s10] =	ssyncset.done $0x0  }
0x70: {  	[sflag:s10] =	ssyncadd.s32 $0xFFFFFFB0  }
0x71: {  	[spmem:s1] =	stream.indirect.scatter.add.f32 [tilespmem:s31], [sflag:$0x7], $0x80, s29, s25, $0xb8;
	[tilespmem:$0x18A80] =	vst v63  }
0x72: {  	_ =	swait.ge [sflag:s8], $0x2800  }
0x73: {  	[sflag:s8] =	ssyncset.done $0x0  }
.Ltmp0:
0x74: {  	s15 =	sadd.s32 $0x1E, s16;
	[sflag:s8] =	ssyncadd.s32 $0xFFFFD800;
	(pc) =	sbr.rel @p1 .LBB2_2-.Ltmp0, $4  }
0x75: {  	[tilespmem:s29], [sflag:$0x6] =	stream.linear.gather [hbm4b:s15+s3], $0x50, $0x38;
	[tilespmem:$0x18A80] =	vst v63  }
0x76: {  	_ =	swait.ge [sflag:s30], $0x50  }
0x77: {  	[sflag:s30] =	ssyncset.done $0x0  }
0x78: {  	s7 =	sadd.s32 $0xA0, s7;
	[sflag:s30] =	ssyncadd.s32 $0xFFFFFFB0  }
0x79: {  	[tilespmem:s31], [sflag:$0x2] =	stream.indirect.gather [hbm4b:s4+s25], $0x80, s28, s25, $0xb8;
	[tilespmem:$0x18A80] =	vst v63  }
0x7a: {  	_ =	swait.ge [sflag:s0], $0x2800  }
0x7b: {  	[sflag:s0] =	ssyncset.done $0x0  }
0x7c: {  	s7 =	rddreg [dreg:$0xd];
	[sflag:s0] =	ssyncadd.s32 $0xFFFFD800  }
0x7d: {  	[tilespmem:s22], [sflag:$0x3] =	stream.linear.gather [hbm4b:s7+s3], $0x50, $0x38;
	[tilespmem:$0x18A80] =	vst v63  }
0x7e: {  	_ =	swait.ge [sflag:s2], $0x50  }
0x7f: {  	[sflag:s2] =	ssyncset.done $0x0  }
0x80: {  	[sflag:s2] =	ssyncadd.s32 $0xFFFFFFB0  }
0x81: {  	[spmem:s1] =	stream.indirect.scatter.add.f32 [tilespmem:s26], [sflag:$0x7], $0x80, s23, s25, $0xb8;
	[tilespmem:$0x18A80] =	vst v63  }
0x82: {  	_ =	swait.ge [sflag:s8], $0x2800  }
0x83: {  	[sflag:s8] =	ssyncset.done $0x0  }
0x84: {  	s16 =	rddreg [dreg:$0xe];
	[sflag:s8] =	ssyncadd.s32 $0xFFFFD800  }
0x85: {  	[tilespmem:s23], [sflag:$0x4] =	stream.linear.gather [hbm4b:s16+s3], $0x50, $0x38;
	[tilespmem:$0x18A80] =	vst v63  }
0x86: {  	_ =	swait.ge [sflag:s24], $0x50  }
0x87: {  	[sflag:s24] =	ssyncset.done $0x0  }
0x88: {  	[sflag:s24] =	ssyncadd.s32 $0xFFFFFFB0  }
0x89: {  	[tilespmem:s26], [sflag:$0x1] =	stream.indirect.gather [hbm4b:s4+s25], $0x80, s22, s25, $0xb8;
	[tilespmem:$0x18A80] =	vst v63  }
0x8a: {  	_ =	swait.ge [sflag:s9], $0x2800  }
0x8b: {  	[sflag:s9] =	ssyncset.done $0x0  }
0x8c: {  	[sflag:s9] =	ssyncadd.s32 $0xFFFFD800  }
0x8d: {  	_ =	swait.ge [sflag:s10], $0x50  }
0x8e: {  	[sflag:s10] =	ssyncset.done $0x0  }
0x8f: {  	[sflag:s10] =	ssyncadd.s32 $0xFFFFFFB0  }
0x90: {  	[spmem:s1] =	stream.indirect.scatter.add.f32 [tilespmem:s31], [sflag:$0x7], $0x80, s29, s25, $0xb8;
	[tilespmem:$0x18A80] =	vst v63  }
0x91: {  	_ =	swait.ge [sflag:s8], $0x2800  }
0x92: {  	[sflag:s8] =	ssyncset.done $0x0  }
0x93: {  	[sflag:s8] =	ssyncadd.s32 $0xFFFFD800  }
0x94: {  	_ =	swait.ge [sflag:s0], $0x2800  }
0x95: {  	[sflag:s0] =	ssyncset.done $0x0  }
0x96: {  	[sflag:s0] =	ssyncadd.s32 $0xFFFFD800  }
0x97: {  	_ =	swait.ge [sflag:s2], $0x50  }
0x98: {  	[sflag:s2] =	ssyncset.done $0x0  }
0x99: {  	[sflag:s2] =	ssyncadd.s32 $0xFFFFFFB0  }
0x9a: {  	[spmem:s1] =	stream.indirect.scatter.add.f32 [tilespmem:s26], [sflag:$0x7], $0x80, s23, s25, $0xb8;
	[tilespmem:$0x18A80] =	vst v63  }
0x9b: {  	_ =	swait.ge [sflag:s8], $0x2800  }
0x9c: {  	[sflag:s8] =	ssyncset.done $0x0  }
0x9d: {  	[sflag:s8] =	ssyncadd.s32 $0xFFFFD800  }
0x9e: {  	s14 =	simm.s32 @p0 $0x100;
	s15 =	simm.s32 @p0 $0x80;
	[bflag:$0x0] =	sbarrier.arrive $0xFFFF  }
0x9f: {  	s7 =	simm.s32 @p0 $0x8;
	s16 =	simm.s32 @p0 $0x1FC7;
	s17 =	rddreg [dreg:$0xb]  }
0xa0: {  	[hbm:s17@s14], [sflag:s16] =	dma.strided @p0 [spmem:s12@s15], $0x2800, s7, $0x10   }
0xa1: {  	s7 =	simm.s32 @p0 $0x7  }
0xa2: {  	_ =	swait.ge @p0 [sflag:s7], $0x2800  }
0xa3: {  	s12 =	simm.s32 @!p0 $0x100;
	s14 =	simm.s32 @!p0 $0x80;
	[sflag:s7] =	ssyncset.done @p0 $0x0  }
0xa4: {  	s15 =	rddreg [dreg:$0xa];
	[sflag:s7] =	ssyncadd.s32 @p0 $0xFFFFD800;
	s7 =	simm.s32 @!p0 $0x8  }
0xa5: {  	[hbm:s15@s12], [sflag:s13] =	dma.strided @!p0 [spmem:s6@s14], $0x2700, s7, $0x10   }
0xa6: {  	s6 =	simm.s32 @!p0 $0x7  }
0xa7: {  	_ =	swait.ge @!p0 [sflag:s6], $0x2700  }
0xa8: {  	s11 =	sadd.s32 $0x1, s11;
	s17 =	rddreg [dreg:$0xc]  }
0xa9: {  	p1 =	sne.s32 s11, s17  }
.Ltmp1:
0xaa: {  	_ = 	snop;
	(pc) =	sbr.rel @p1 .LBB2_1-.Ltmp1, $3  }
0xab: {  	_ =	sdelay $0x1  }
0xac: {  	[sflag:s6] =	ssyncset.done @!p0 $0x0  }
0xad: {  	[sflag:s6] =	ssyncadd.s32 @!p0 $0xFFFFD900  }
0xae: {  	_ =	sfence.sel $0x180000  }
0xaf: {  	[bflag:$0x0] =	sbarrier.arrive $0xFFFF  }
0xb0: {  	_ =	strace $0x9000004A  }
0xb1: {  	s0 =	stileid.u32;
	[bflag:$0x2] =	sbarrier.arrive $0xFFFF  }
0xb2: {  	p0 =	sne.s32 s0, $0x0;
	s0 =	rddreg [dreg:$0x2]  }
0xb3: {  	s0 =	sadd.s32 @!p0 $0x100000, s0  }
0xb4: {  	[sflag:s0] =	ssyncadd.tile.s32 @!p0 $0x1;
	_ =	shalt  }
.Lfunc_end2:
_tile_overlayer_lowered:
.L_overlay_start_2:
0xb5: {  	(tag) =	ssettag $0x2  }
0xb6: {  	s0 =	rddreg [dreg:$0x0];
	s2 =	stileid.u32  }
0xb7: {  	s1 =	rddreg [dreg:$0x1];
	p0 =	sne.s32 s2, $0x0  }
0xb8: {  	s3 =	rddreg [dreg:$0x2];
	[bflag:$0x3] =	sbarrier.arrive $0xFFFF;
	s2 =	simm.s32 @!p0 $0x1C07  }
0xb9: {  	[timem:s3], [sflag:s2] =	dma.local @!p0 [hbm:s0], s1  }
0xba: {  	s0 =	simm.s32 @!p0 $0x7  }
0xbb: {  	_ =	swait.ge @!p0 [sflag:s0], s1  }
0xbc: {  	s1 =	ssub.s32 @!p0 $0x0, s1;
	[sflag:s0] =	ssyncset.done @!p0 $0x0  }
0xbd: {  	[sflag:s0] =	ssyncadd.s32 @!p0 s1  }
0xbe: {  	[bflag:$0x3] =	sbarrier.arrive $0xFFFF  }
0xbf: {  	_ =	shalt  }

</sc_bundles>
